<compile_context>
chip_gen: v7x
topology: tpu7x:2x2x1
jax: 0.10.2.dev20260603
libtpu: 0.0.44.dev20260713+nightly
codegen_flags: <defaults>
</compile_context>

<pallas_src>
import functools

import jax
import jax.numpy as jnp
from jax import lax
from jax.experimental import pallas as pl
from jax.experimental.pallas import tpu as pltpu
from jax.experimental.pallas import tpu_sc as plsc

T = 2048
D = 1024
NH = 16
NKV = 4
HD = 128
E = 8
TOPK = 2
DFF = 768
EPS = 1e-6
THETA = 1000000.0
HALF = HD // 2

R = 128
NP = 4096 + 1024
NT = NP // R
PADMAX = NP - T * TOPK
NW = 32
TW = T // NW
PW = PADMAX // NW
TB_CMB = 512


def _rms_norm(x, scale, eps=EPS):
    var = jnp.mean(jnp.square(x), axis=-1, keepdims=True)
    return x * jax.lax.rsqrt(var + eps) * scale


def _apply_rope(x, positions):
    inv_freq = 1.0 / (THETA ** (jnp.arange(0, HALF, dtype=jnp.float32) / HALF))
    freqs = positions.astype(jnp.float32)[:, None] * inv_freq[None, :]
    cos = jnp.cos(freqs)[:, None, :]
    sin = jnp.sin(freqs)[:, None, :]
    x1 = x[..., :HALF]
    x2 = x[..., HALF:]
    return jnp.concatenate([x1 * cos - x2 * sin, x2 * cos + x1 * sin], axis=-1)


def _dispatch_kernel(eidx_ref, pos0_ref, pos1_ref, padpos_ref, te_ref):
    eidx = eidx_ref[...]
    lane = lax.broadcasted_iota(jnp.int32, (T, 128), 1)
    e0 = eidx[:, 0:1]
    e1 = eidx[:, 1:2]
    oh = ((lane == e0) | (lane == e1)).astype(jnp.float32)

    rowi = lax.broadcasted_iota(jnp.int32, (T, T), 0)
    colj = lax.broadcasted_iota(jnp.int32, (T, T), 1)
    tril = (rowi >= colj).astype(jnp.float32)
    cum = jax.lax.dot_general(tril, oh, (((1,), (0,)), ((), ())),
                              preferred_element_type=jnp.float32)
    counts = cum[T - 1:T, :]
    cnt_i = counts.astype(jnp.int32)
    pc_i = ((cnt_i + (R - 1)) // R) * R
    pc = pc_i.astype(jnp.float32)

    li = lax.broadcasted_iota(jnp.int32, (128, 128), 0)
    lj = lax.broadcasted_iota(jnp.int32, (128, 128), 1)
    ltri = (li <= lj).astype(jnp.float32)
    incl_pad = jax.lax.dot_general(pc, ltri, (((1,), (0,)), ((), ())),
                                   preferred_element_type=jnp.float32)
    off = incl_pad - pc

    cum_excl = cum - oh
    off_sel0 = jnp.sum(jnp.where(lane == e0, off, 0.0), axis=1, keepdims=True)
    rank0 = jnp.sum(jnp.where(lane == e0, cum_excl, 0.0), axis=1,
                    keepdims=True)
    pos0 = (off_sel0 + rank0).astype(jnp.int32)
    off_sel1 = jnp.sum(jnp.where(lane == e1, off, 0.0), axis=1, keepdims=True)
    rank1 = jnp.sum(jnp.where(lane == e1, cum_excl, 0.0), axis=1,
                    keepdims=True)
    pos1 = (off_sel1 + rank1).astype(jnp.int32)
    pos0_ref[...] = pos0
    pos1_ref[...] = pos1

    padc = pc - counts
    incl_padc = jax.lax.dot_general(padc, ltri, (((1,), (0,)), ((), ())),
                                    preferred_element_type=jnp.float32)
    excl_padc = incl_padc - padc
    total_pad = incl_padc[0:1, E - 1:E]
    krow = lax.broadcasted_iota(jnp.int32, (PADMAX // 128, 128), 0)
    kcol = lax.broadcasted_iota(jnp.int32, (PADMAX // 128, 128), 1)
    kf = (krow * 128 + kcol).astype(jnp.float32)
    ek = jnp.zeros_like(krow)
    for e in range(E):
        ek = ek + (kf >= incl_padc[0:1, e:e + 1]).astype(jnp.int32)
    ek = jnp.minimum(ek, E - 1)
    offsel = jnp.zeros_like(kf)
    csel = jnp.zeros_like(kf)
    exsel = jnp.zeros_like(kf)
    for e in range(E):
        m = ek == e
        offsel = offsel + jnp.where(m, off[0:1, e:e + 1], 0.0)
        csel = csel + jnp.where(m, counts[0:1, e:e + 1], 0.0)
        exsel = exsel + jnp.where(m, excl_padc[0:1, e:e + 1], 0.0)
    pos_in = offsel + csel + (kf - exsel)
    pos_ovf = float(T * TOPK) + kf
    padpos_ref[...] = jnp.where(kf < total_pad, pos_in, pos_ovf).astype(
        jnp.int32)

    tif = (lax.broadcasted_iota(jnp.int32, (1, 128), 1) * R).astype(
        jnp.float32)
    te = jnp.zeros((1, 128), jnp.int32)
    for e in range(E):
        te = te + (tif >= incl_pad[0:1, e:e + 1]).astype(jnp.int32)
    te_ref[...] = jnp.minimum(te, E - 1)


def _sc_mesh():
    return plsc.VectorSubcoreMesh(core_axis_name="c", subcore_axis_name="s")


def _wid():
    info = plsc.get_sparse_core_info()
    return lax.axis_index("s") * info.num_cores + lax.axis_index("c")


def _sc_scatter_body(h2, pos0, pos1, padpos, zrows_hbm, x_out,
                     idx0_v, idx1_v, rows_v, zrows_v, pidx_v, sem):
    w = _wid()
    tbase = w * TW
    pltpu.sync_copy(h2.at[pl.ds(tbase, TW)], rows_v)
    pltpu.sync_copy(pos0.at[pl.ds(tbase, TW)], idx0_v)
    pltpu.sync_copy(pos1.at[pl.ds(tbase, TW)], idx1_v)
    pltpu.sync_copy(padpos.at[pl.ds(w * PW, PW)], pidx_v)
    pltpu.sync_copy(zrows_hbm, zrows_v)
    c0 = pltpu.async_copy(rows_v, x_out.at[idx0_v], sem)
    c1 = pltpu.async_copy(rows_v, x_out.at[idx1_v], sem)
    c2 = pltpu.async_copy(zrows_v, x_out.at[pidx_v], sem)
    c0.wait()
    c1.wait()
    c2.wait()


def _build_sorted(hn, pos0, pos1, padflat):
    zrows = jnp.zeros((PW, D), jnp.float32)
    f = pl.kernel(
        _sc_scatter_body,
        mesh=_sc_mesh(),
        out_type=jax.ShapeDtypeStruct((NP, D), jnp.float32),
        scratch_types=[
            pltpu.VMEM((TW,), jnp.int32),
            pltpu.VMEM((TW,), jnp.int32),
            pltpu.VMEM((TW, D), jnp.float32),
            pltpu.VMEM((PW, D), jnp.float32),
            pltpu.VMEM((PW,), jnp.int32),
            pltpu.SemaphoreType.DMA,
        ],
    )
    return f(hn, pos0, pos1, padflat, zrows)


def _sc_gather_body(y, pos0, pos1, y0_out, y1_out, idx_v, rows_v, sem):
    w = _wid()
    tbase = w * TW
    pltpu.sync_copy(pos0.at[pl.ds(tbase, TW)], idx_v)
    pltpu.async_copy(y.at[idx_v], rows_v, sem).wait()
    pltpu.sync_copy(rows_v, y0_out.at[pl.ds(tbase, TW)])
    pltpu.sync_copy(pos1.at[pl.ds(tbase, TW)], idx_v)
    pltpu.async_copy(y.at[idx_v], rows_v, sem).wait()
    pltpu.sync_copy(rows_v, y1_out.at[pl.ds(tbase, TW)])


def _gather_pair(Y, pos0, pos1):
    f = pl.kernel(
        _sc_gather_body,
        mesh=_sc_mesh(),
        out_type=[
            jax.ShapeDtypeStruct((T, D), jnp.float32),
            jax.ShapeDtypeStruct((T, D), jnp.float32),
        ],
        scratch_types=[
            pltpu.VMEM((TW,), jnp.int32),
            pltpu.VMEM((TW, D), jnp.float32),
            pltpu.SemaphoreType.DMA,
        ],
    )
    return f(Y, pos0, pos1)


def _gffn_kernel(te_ref, x_ref, wg_ref, wu_ref, wd_ref, y_ref):
    x = x_ref[...]
    g = jax.lax.dot_general(x, wg_ref[0], (((1,), (0,)), ((), ())),
                            preferred_element_type=jnp.float32)
    u = jax.lax.dot_general(x, wu_ref[0], (((1,), (0,)), ((), ())),
                            preferred_element_type=jnp.float32)
    act = g * jax.nn.sigmoid(g) * u
    y_ref[...] = jax.lax.dot_general(act, wd_ref[0], (((1,), (0,)), ((), ())),
                                     preferred_element_type=jnp.float32)


def _comb_kernel(y0_ref, y1_ref, w0_ref, w1_ref, o_ref):
    o_ref[...] = w0_ref[...] * y0_ref[...] + w1_ref[...] * y1_ref[...]


def kernel(positions, hidden_states, Wq, Wk, Wv, Wo, q_norm_scale,
           k_norm_scale, input_ln_scale, post_ln_scale, Wg, W_gate, W_up,
           W_down):
    residual = hidden_states
    h = _rms_norm(hidden_states, input_ln_scale)
    q = (h @ Wq).reshape(T, NH, HD)
    k = (h @ Wk).reshape(T, NKV, HD)
    v = (h @ Wv).reshape(T, NKV, HD)
    q = _rms_norm(q, q_norm_scale)
    k = _rms_norm(k, k_norm_scale)
    q = _apply_rope(q, positions)
    k = _apply_rope(k, positions)
    rep = NH // NKV
    k = jnp.repeat(k, rep, axis=1)
    v = jnp.repeat(v, rep, axis=1)
    qh = q.transpose(1, 0, 2)
    kh = k.transpose(1, 0, 2)
    vh = v.transpose(1, 0, 2)
    scores = jnp.einsum('htd,hsd->hts', qh, kh) * (HD ** -0.5)
    causal = jnp.tril(jnp.ones((T, T), dtype=bool))
    scores = jnp.where(causal[None, :, :], scores, jnp.float32(-1e30))
    probs = jax.nn.softmax(scores, axis=-1)
    attn = jnp.einsum('hts,hsd->htd', probs, vh)
    attn = attn.transpose(1, 0, 2).reshape(T, NH * HD)
    attn_out = attn @ Wo
    h2 = attn_out + residual
    residual2 = h2
    hn = _rms_norm(h2, post_ln_scale)
    router_logits = hn @ Wg
    router_probs = jax.nn.softmax(router_logits.astype(jnp.float32), axis=-1)
    topk_w, topk_idx = jax.lax.top_k(router_probs, TOPK)
    topk_w = topk_w / jnp.sum(topk_w, axis=-1, keepdims=True)

    eidx_pad = jnp.pad(topk_idx, ((0, 0), (0, 128 - TOPK)))
    pos0c, pos1c, padpos, te128 = pl.pallas_call(
        _dispatch_kernel,
        grid=(1,),
        in_specs=[pl.BlockSpec((T, 128), lambda i: (0, 0))],
        out_specs=[
            pl.BlockSpec((T, 1), lambda i: (0, 0)),
            pl.BlockSpec((T, 1), lambda i: (0, 0)),
            pl.BlockSpec((PADMAX // 128, 128), lambda i: (0, 0)),
            pl.BlockSpec((1, 128), lambda i: (0, 0)),
        ],
        out_shape=[
            jax.ShapeDtypeStruct((T, 1), jnp.int32),
            jax.ShapeDtypeStruct((T, 1), jnp.int32),
            jax.ShapeDtypeStruct((PADMAX // 128, 128), jnp.int32),
            jax.ShapeDtypeStruct((1, 128), jnp.int32),
        ],
    )(eidx_pad)
    pos0 = pos0c.reshape(T)
    pos1 = pos1c.reshape(T)
    padflat = padpos.reshape(PADMAX)
    te = te128[0, :NT]

    X = _build_sorted(hn, pos0, pos1, padflat)

    Y = pl.pallas_call(
        _gffn_kernel,
        grid_spec=pltpu.PrefetchScalarGridSpec(
            num_scalar_prefetch=1,
            grid=(NT,),
            in_specs=[
                pl.BlockSpec((R, D), lambda i, te_r: (i, 0)),
                pl.BlockSpec((1, D, DFF), lambda i, te_r: (te_r[i], 0, 0)),
                pl.BlockSpec((1, D, DFF), lambda i, te_r: (te_r[i], 0, 0)),
                pl.BlockSpec((1, DFF, D), lambda i, te_r: (te_r[i], 0, 0)),
            ],
            out_specs=pl.BlockSpec((R, D), lambda i, te_r: (i, 0)),
        ),
        out_shape=jax.ShapeDtypeStruct((NP, D), jnp.float32),
    )(te, X, W_gate, W_up, W_down)

    Y0, Y1 = _gather_pair(Y, pos0, pos1)

    out = pl.pallas_call(
        _comb_kernel,
        grid=(T // TB_CMB,),
        in_specs=[
            pl.BlockSpec((TB_CMB, D), lambda i: (i, 0)),
            pl.BlockSpec((TB_CMB, D), lambda i: (i, 0)),
            pl.BlockSpec((TB_CMB, 1), lambda i: (i, 0)),
            pl.BlockSpec((TB_CMB, 1), lambda i: (i, 0)),
        ],
        out_specs=pl.BlockSpec((TB_CMB, D), lambda i: (i, 0)),
        out_shape=jax.ShapeDtypeStruct((T, D), jnp.float32),
    )(Y0, Y1, topk_w[:, 0:1], topk_w[:, 1:2])

    return (out, residual2)

# --- scband reference (transcript-rebuilt; emitter-appended) ---
"""Pipeline reference for scband-qwen3-moe-decoder-layer-24618752541338 (READ-ONLY COPY).

The authoritative reference and input builder live on the scoring server;
editing this copy changes nothing except your own understanding.
"""

import jax, jax.numpy as jnp
import numpy as np

T = 2048
D = 1024
NH = 16
NKV = 4
HD = 128
E = 8
TOPK = 2
DFF = 768
EPS = 1e-6
THETA = 1000000.0


def rms_norm(x, scale, eps=EPS):
    var = jnp.mean(jnp.square(x), axis=-1, keepdims=True)
    return x * jax.lax.rsqrt(var + eps) * scale


def apply_rope(x, positions):
    # neox-style rotary embedding over full head_dim
    half = HD // 2
    inv_freq = 1.0 / (THETA ** (jnp.arange(0, half, dtype=jnp.float32) / half))
    freqs = positions.astype(jnp.float32)[:, None] * inv_freq[None, :]  # [T, half]
    cos = jnp.cos(freqs)[:, None, :]
    sin = jnp.sin(freqs)[:, None, :]
    x1 = x[..., :half]
    x2 = x[..., half:]
    return jnp.concatenate([x1 * cos - x2 * sin, x2 * cos + x1 * sin], axis=-1)


def setup_inputs(seed: int = 0) -> dict:
    key = jax.random.key(seed)
    ks = jax.random.split(key, 12)
    s = 0.02
    inp = {}
    inp["positions"] = jnp.arange(T, dtype=jnp.int32)
    inp["hidden_states"] = jax.random.normal(ks[0], (T, D), dtype=jnp.float32)
    inp["Wq"] = jax.random.normal(ks[1], (D, NH * HD), dtype=jnp.float32) * s
    inp["Wk"] = jax.random.normal(ks[2], (D, NKV * HD), dtype=jnp.float32) * s
    inp["Wv"] = jax.random.normal(ks[3], (D, NKV * HD), dtype=jnp.float32) * s
    inp["Wo"] = jax.random.normal(ks[4], (NH * HD, D), dtype=jnp.float32) * s
    inp["q_norm_scale"] = jnp.ones((HD,), dtype=jnp.float32)
    inp["k_norm_scale"] = jnp.ones((HD,), dtype=jnp.float32)
    inp["input_ln_scale"] = jnp.ones((D,), dtype=jnp.float32)
    inp["post_ln_scale"] = jnp.ones((D,), dtype=jnp.float32)
    inp["Wg"] = jax.random.normal(ks[5], (D, E), dtype=jnp.float32) * s
    inp["W_gate"] = jax.random.normal(ks[6], (E, D, DFF), dtype=jnp.float32) * s
    inp["W_up"] = jax.random.normal(ks[7], (E, D, DFF), dtype=jnp.float32) * s
    inp["W_down"] = jax.random.normal(ks[8], (E, DFF, D), dtype=jnp.float32) * s
    return inp


def reference(positions, hidden_states, Wq, Wk, Wv, Wo, q_norm_scale, k_norm_scale, input_ln_scale, post_ln_scale, Wg, W_gate, W_up, W_down):
    # ---- input layernorm + attention ----
    residual = hidden_states
    h = rms_norm(hidden_states, input_ln_scale)
    q = (h @ Wq).reshape(T, NH, HD)
    k = (h @ Wk).reshape(T, NKV, HD)
    v = (h @ Wv).reshape(T, NKV, HD)
    q = rms_norm(q, q_norm_scale)
    k = rms_norm(k, k_norm_scale)
    q = apply_rope(q, positions)
    k = apply_rope(k, positions)
    rep = NH // NKV
    k = jnp.repeat(k, rep, axis=1)
    v = jnp.repeat(v, rep, axis=1)
    qh = q.transpose(1, 0, 2)
    kh = k.transpose(1, 0, 2)
    vh = v.transpose(1, 0, 2)
    scores = jnp.einsum('htd,hsd->hts', qh, kh) * (HD ** -0.5)
    causal = jnp.tril(jnp.ones((T, T), dtype=bool))
    scores = jnp.where(causal[None, :, :], scores, jnp.float32(-1e30))
    probs = jax.nn.softmax(scores, axis=-1)
    attn = jnp.einsum('hts,hsd->htd', probs, vh)
    attn = attn.transpose(1, 0, 2).reshape(T, NH * HD)
    attn_out = attn @ Wo
    # ---- residual + post-attention layernorm ----
    h = attn_out + residual
    residual2 = h
    h = rms_norm(h, post_ln_scale)
    # ---- MoE: router gate + top-k dispatch/combine ----
    router_logits = h @ Wg
    router_probs = jax.nn.softmax(router_logits.astype(jnp.float32), axis=-1)
    topk_w, topk_idx = jax.lax.top_k(router_probs, TOPK)
    topk_w = topk_w / jnp.sum(topk_w, axis=-1, keepdims=True)
    combine = jnp.zeros((T, E), dtype=jnp.float32).at[jnp.arange(T)[:, None], topk_idx].add(topk_w)
    # ---- expert FFNs (SwiGLU), dense-per-expert then weighted combine ----
    gate = jnp.einsum('td,edf->tef', h, W_gate)
    up = jnp.einsum('td,edf->tef', h, W_up)
    act = jax.nn.silu(gate) * up
    expert_out = jnp.einsum('tef,efd->ted', act, W_down)
    out = jnp.einsum('te,ted->td', combine, expert_out)
    return (out, residual2)

if __name__ == "__main__":
    import jax
    _d = setup_inputs()
    print(jax.jit(kernel)(*tuple(_d.values())))

</pallas_src>

<mosaic_0001>
#map = affine_map<(d0, d1) -> (0, 0)>
#map1 = affine_map<(d0, d1) -> (0)>
module attributes {stable_mosaic.version = 14 : i64} {
  func.func @_sc_gather_body(%arg0: i32, %arg1: i32, %arg2: memref<5120x1024xf32, #tpu.memory_space<hbm>>, %arg3: memref<2048xi32, #tpu.memory_space<hbm>>, %arg4: memref<2048xi32, #tpu.memory_space<hbm>>, %arg5: memref<2048x1024xf32, #tpu.memory_space<hbm>>, %arg6: memref<2048x1024xf32, #tpu.memory_space<hbm>>, %arg7: memref<64xi32, #tpu.memory_space<vmem>>, %arg8: memref<64x1024xf32, #tpu.memory_space<vmem>>, %arg9: memref<!tpu.dma_semaphore, #tpu.memory_space<semaphore_mem>>) attributes {dimension_semantics = [#tpu.dimension_semantics<core_parallel>, #tpu.dimension_semantics<subcore_parallel>], iteration_bounds = array<i64: 2, 16>, scalar_prefetch = 0 : i64, scratch_operands = 3 : i64, tpu.core_type = #tpu.core_type<sc_vector_subcore>, window_params = [{transform_indices = #map}, {transform_indices = #map1}, {transform_indices = #map1}, {transform_indices = #map}, {transform_indices = #map}]} {
    %mul3A = arith.constant 2 : i32
    %mul3A_0 = arith.muli %arg1, %mul3A : i32
    %add3A = arith.addi %mul3A_0, %arg0 : i32
    %mul3A_1 = arith.constant 64 : i32
    %mul3A_2 = arith.muli %add3A, %mul3A_1 : i32
    "tpu.region"() ({
      %run_scoped3A = tpu.sem_alloc : memref<!tpu.dma_semaphore, #tpu.memory_space<semaphore_mem>>
      %dma_start3A_13 = tpu.memref_slice %arg3[%mul3A_2] : memref<2048xi32, #tpu.memory_space<hbm>> -> memref<64xi32, #tpu.memory_space<hbm>>
      %dma_start3A_14 = tpu.memref_slice %arg3[%mul3A_2] : memref<2048xi32, #tpu.memory_space<hbm>> -> memref<64xi32, #tpu.memory_space<hbm>>
      tpu.enqueue_dma source(%dma_start3A_14 : memref<64xi32, #tpu.memory_space<hbm>>) target(%arg7 : memref<64xi32, #tpu.memory_space<vmem>>) target_semaphore(%run_scoped3A : memref<!tpu.dma_semaphore, #tpu.memory_space<semaphore_mem>>)
      %dma_wait3A_15 = tpu.memref_slice %arg3[%mul3A_2] : memref<2048xi32, #tpu.memory_space<hbm>> -> memref<64xi32, #tpu.memory_space<hbm>>
      %dma_wait3A_16 = tpu.memref_slice %arg3[%mul3A_2] : memref<2048xi32, #tpu.memory_space<hbm>> -> memref<64xi32, #tpu.memory_space<hbm>>
      tpu.wait_dma2 semaphore(%run_scoped3A : memref<!tpu.dma_semaphore, #tpu.memory_space<semaphore_mem>>) src(%dma_wait3A_16 : memref<64xi32, #tpu.memory_space<hbm>>) dst(%arg7 : memref<64xi32, #tpu.memory_space<vmem>>)
      tpu.yield
    }) : () -> ()
    %dma_start3A = arith.constant 0 : i32
    %dma_start3A_3 = arith.constant 0 : i32
    %dma_start3A_4 = tpu.memref_slice %arg2[%dma_start3A, %dma_start3A_3] : memref<5120x1024xf32, #tpu.memory_space<hbm>> -> memref<5120x1024xf32, #tpu.memory_space<hbm>>
    tpu.enqueue_indirect_dma source(%dma_start3A_4 : memref<5120x1024xf32, #tpu.memory_space<hbm>>) target(%arg8 : memref<64x1024xf32, #tpu.memory_space<vmem>>) offsets(%arg7 : memref<64xi32, #tpu.memory_space<vmem>>) semaphore(%arg9 : memref<!tpu.dma_semaphore, #tpu.memory_space<semaphore_mem>>)
    %dma_wait3A = arith.constant 0 : i32
    %dma_wait3A_5 = arith.constant 0 : i32
    %dma_wait3A_6 = tpu.memref_slice %arg2[%dma_wait3A, %dma_wait3A_5] : memref<5120x1024xf32, #tpu.memory_space<hbm>> -> memref<5120x1024xf32, #tpu.memory_space<hbm>>
    tpu.wait_indirect_dma semaphore(%arg9 : memref<!tpu.dma_semaphore, #tpu.memory_space<semaphore_mem>>) src(%dma_wait3A_6 : memref<5120x1024xf32, #tpu.memory_space<hbm>>) dst(%arg8 : memref<64x1024xf32, #tpu.memory_space<vmem>>)
    "tpu.region"() ({
      %run_scoped3A = tpu.sem_alloc : memref<!tpu.dma_semaphore, #tpu.memory_space<semaphore_mem>>
      %dma_start3A_13 = arith.constant 0 : i32
      %dma_start3A_14 = tpu.memref_slice %arg5[%mul3A_2, %dma_start3A_13] : memref<2048x1024xf32, #tpu.memory_space<hbm>> -> memref<64x1024xf32, #tpu.memory_space<hbm>>
      %dma_start3A_15 = arith.constant 0 : i32
      %dma_start3A_16 = tpu.memref_slice %arg5[%mul3A_2, %dma_start3A_15] : memref<2048x1024xf32, #tpu.memory_space<hbm>> -> memref<64x1024xf32, #tpu.memory_space<hbm>>
      tpu.enqueue_dma source(%arg8 : memref<64x1024xf32, #tpu.memory_space<vmem>>) target(%dma_start3A_16 : memref<64x1024xf32, #tpu.memory_space<hbm>>) target_semaphore(%run_scoped3A : memref<!tpu.dma_semaphore, #tpu.memory_space<semaphore_mem>>)
      %dma_wait3A_17 = arith.constant 0 : i32
      %dma_wait3A_18 = tpu.memref_slice %arg5[%mul3A_2, %dma_wait3A_17] : memref<2048x1024xf32, #tpu.memory_space<hbm>> -> memref<64x1024xf32, #tpu.memory_space<hbm>>
      %dma_wait3A_19 = arith.constant 0 : i32
      %dma_wait3A_20 = tpu.memref_slice %arg5[%mul3A_2, %dma_wait3A_19] : memref<2048x1024xf32, #tpu.memory_space<hbm>> -> memref<64x1024xf32, #tpu.memory_space<hbm>>
      tpu.wait_dma2 semaphore(%run_scoped3A : memref<!tpu.dma_semaphore, #tpu.memory_space<semaphore_mem>>) src(%arg8 : memref<64x1024xf32, #tpu.memory_space<vmem>>) dst(%dma_wait3A_20 : memref<64x1024xf32, #tpu.memory_space<hbm>>)
      tpu.yield
    }) : () -> ()
    "tpu.region"() ({
      %run_scoped3A = tpu.sem_alloc : memref<!tpu.dma_semaphore, #tpu.memory_space<semaphore_mem>>
      %dma_start3A_13 = tpu.memref_slice %arg4[%mul3A_2] : memref<2048xi32, #tpu.memory_space<hbm>> -> memref<64xi32, #tpu.memory_space<hbm>>
      %dma_start3A_14 = tpu.memref_slice %arg4[%mul3A_2] : memref<2048xi32, #tpu.memory_space<hbm>> -> memref<64xi32, #tpu.memory_space<hbm>>
      tpu.enqueue_dma source(%dma_start3A_14 : memref<64xi32, #tpu.memory_space<hbm>>) target(%arg7 : memref<64xi32, #tpu.memory_space<vmem>>) target_semaphore(%run_scoped3A : memref<!tpu.dma_semaphore, #tpu.memory_space<semaphore_mem>>)
      %dma_wait3A_15 = tpu.memref_slice %arg4[%mul3A_2] : memref<2048xi32, #tpu.memory_space<hbm>> -> memref<64xi32, #tpu.memory_space<hbm>>
      %dma_wait3A_16 = tpu.memref_slice %arg4[%mul3A_2] : memref<2048xi32, #tpu.memory_space<hbm>> -> memref<64xi32, #tpu.memory_space<hbm>>
      tpu.wait_dma2 semaphore(%run_scoped3A : memref<!tpu.dma_semaphore, #tpu.memory_space<semaphore_mem>>) src(%dma_wait3A_16 : memref<64xi32, #tpu.memory_space<hbm>>) dst(%arg7 : memref<64xi32, #tpu.memory_space<vmem>>)
      tpu.yield
    }) : () -> ()
    %dma_start3A_7 = arith.constant 0 : i32
    %dma_start3A_8 = arith.constant 0 : i32
    %dma_start3A_9 = tpu.memref_slice %arg2[%dma_start3A_7, %dma_start3A_8] : memref<5120x1024xf32, #tpu.memory_space<hbm>> -> memref<5120x1024xf32, #tpu.memory_space<hbm>>
    tpu.enqueue_indirect_dma source(%dma_start3A_9 : memref<5120x1024xf32, #tpu.memory_space<hbm>>) target(%arg8 : memref<64x1024xf32, #tpu.memory_space<vmem>>) offsets(%arg7 : memref<64xi32, #tpu.memory_space<vmem>>) semaphore(%arg9 : memref<!tpu.dma_semaphore, #tpu.memory_space<semaphore_mem>>)
    %dma_wait3A_10 = arith.constant 0 : i32
    %dma_wait3A_11 = arith.constant 0 : i32
    %dma_wait3A_12 = tpu.memref_slice %arg2[%dma_wait3A_10, %dma_wait3A_11] : memref<5120x1024xf32, #tpu.memory_space<hbm>> -> memref<5120x1024xf32, #tpu.memory_space<hbm>>
    tpu.wait_indirect_dma semaphore(%arg9 : memref<!tpu.dma_semaphore, #tpu.memory_space<semaphore_mem>>) src(%dma_wait3A_12 : memref<5120x1024xf32, #tpu.memory_space<hbm>>) dst(%arg8 : memref<64x1024xf32, #tpu.memory_space<vmem>>)
    "tpu.region"() ({
      %run_scoped3A = tpu.sem_alloc : memref<!tpu.dma_semaphore, #tpu.memory_space<semaphore_mem>>
      %dma_start3A_13 = arith.constant 0 : i32
      %dma_start3A_14 = tpu.memref_slice %arg6[%mul3A_2, %dma_start3A_13] : memref<2048x1024xf32, #tpu.memory_space<hbm>> -> memref<64x1024xf32, #tpu.memory_space<hbm>>
      %dma_start3A_15 = arith.constant 0 : i32
      %dma_start3A_16 = tpu.memref_slice %arg6[%mul3A_2, %dma_start3A_15] : memref<2048x1024xf32, #tpu.memory_space<hbm>> -> memref<64x1024xf32, #tpu.memory_space<hbm>>
      tpu.enqueue_dma source(%arg8 : memref<64x1024xf32, #tpu.memory_space<vmem>>) target(%dma_start3A_16 : memref<64x1024xf32, #tpu.memory_space<hbm>>) target_semaphore(%run_scoped3A : memref<!tpu.dma_semaphore, #tpu.memory_space<semaphore_mem>>)
      %dma_wait3A_17 = arith.constant 0 : i32
      %dma_wait3A_18 = tpu.memref_slice %arg6[%mul3A_2, %dma_wait3A_17] : memref<2048x1024xf32, #tpu.memory_space<hbm>> -> memref<64x1024xf32, #tpu.memory_space<hbm>>
      %dma_wait3A_19 = arith.constant 0 : i32
      %dma_wait3A_20 = tpu.memref_slice %arg6[%mul3A_2, %dma_wait3A_19] : memref<2048x1024xf32, #tpu.memory_space<hbm>> -> memref<64x1024xf32, #tpu.memory_space<hbm>>
      tpu.wait_dma2 semaphore(%run_scoped3A : memref<!tpu.dma_semaphore, #tpu.memory_space<semaphore_mem>>) src(%arg8 : memref<64x1024xf32, #tpu.memory_space<vmem>>) dst(%dma_wait3A_20 : memref<64x1024xf32, #tpu.memory_space<hbm>>)
      tpu.yield
    }) : () -> ()
    return
  }
}

#map = affine_map<(d0, d1) -> (0, 0)>
#map1 = affine_map<(d0, d1) -> (0)>
module attributes {stable_mosaic.version = 14 : i64} {
  func.func @_sc_scatter_body(%arg0: i32, %arg1: i32, %arg2: memref<2048x1024xf32, #tpu.memory_space<hbm>>, %arg3: memref<2048xi32, #tpu.memory_space<hbm>>, %arg4: memref<2048xi32, #tpu.memory_space<hbm>>, %arg5: memref<1024xi32, #tpu.memory_space<hbm>>, %arg6: memref<32x1024xf32, #tpu.memory_space<hbm>>, %arg7: memref<5120x1024xf32, #tpu.memory_space<hbm>>, %arg8: memref<64xi32, #tpu.memory_space<vmem>>, %arg9: memref<64xi32, #tpu.memory_space<vmem>>, %arg10: memref<64x1024xf32, #tpu.memory_space<vmem>>, %arg11: memref<32x1024xf32, #tpu.memory_space<vmem>>, %arg12: memref<32xi32, #tpu.memory_space<vmem>>, %arg13: memref<!tpu.dma_semaphore, #tpu.memory_space<semaphore_mem>>) attributes {dimension_semantics = [#tpu.dimension_semantics<core_parallel>, #tpu.dimension_semantics<subcore_parallel>], iteration_bounds = array<i64: 2, 16>, scalar_prefetch = 0 : i64, scratch_operands = 6 : i64, tpu.core_type = #tpu.core_type<sc_vector_subcore>, window_params = [{transform_indices = #map}, {transform_indices = #map1}, {transform_indices = #map1}, {transform_indices = #map1}, {transform_indices = #map}, {transform_indices = #map}]} {
    %mul3A = arith.constant 2 : i32
    %mul3A_0 = arith.muli %arg1, %mul3A : i32
    %add3A = arith.addi %mul3A_0, %arg0 : i32
    %mul3A_1 = arith.constant 64 : i32
    %mul3A_2 = arith.muli %add3A, %mul3A_1 : i32
    "tpu.region"() ({
      %run_scoped3A = tpu.sem_alloc : memref<!tpu.dma_semaphore, #tpu.memory_space<semaphore_mem>>
      %dma_start3A_21 = arith.constant 0 : i32
      %dma_start3A_22 = tpu.memref_slice %arg2[%mul3A_2, %dma_start3A_21] : memref<2048x1024xf32, #tpu.memory_space<hbm>> -> memref<64x1024xf32, #tpu.memory_space<hbm>>
      %dma_start3A_23 = arith.constant 0 : i32
      %dma_start3A_24 = tpu.memref_slice %arg2[%mul3A_2, %dma_start3A_23] : memref<2048x1024xf32, #tpu.memory_space<hbm>> -> memref<64x1024xf32, #tpu.memory_space<hbm>>
      tpu.enqueue_dma source(%dma_start3A_24 : memref<64x1024xf32, #tpu.memory_space<hbm>>) target(%arg10 : memref<64x1024xf32, #tpu.memory_space<vmem>>) target_semaphore(%run_scoped3A : memref<!tpu.dma_semaphore, #tpu.memory_space<semaphore_mem>>)
      %dma_wait3A_25 = arith.constant 0 : i32
      %dma_wait3A_26 = tpu.memref_slice %arg2[%mul3A_2, %dma_wait3A_25] : memref<2048x1024xf32, #tpu.memory_space<hbm>> -> memref<64x1024xf32, #tpu.memory_space<hbm>>
      %dma_wait3A_27 = arith.constant 0 : i32
      %dma_wait3A_28 = tpu.memref_slice %arg2[%mul3A_2, %dma_wait3A_27] : memref<2048x1024xf32, #tpu.memory_space<hbm>> -> memref<64x1024xf32, #tpu.memory_space<hbm>>
      tpu.wait_dma2 semaphore(%run_scoped3A : memref<!tpu.dma_semaphore, #tpu.memory_space<semaphore_mem>>) src(%dma_wait3A_28 : memref<64x1024xf32, #tpu.memory_space<hbm>>) dst(%arg10 : memref<64x1024xf32, #tpu.memory_space<vmem>>)
      tpu.yield
    }) : () -> ()
    "tpu.region"() ({
      %run_scoped3A = tpu.sem_alloc : memref<!tpu.dma_semaphore, #tpu.memory_space<semaphore_mem>>
      %dma_start3A_21 = tpu.memref_slice %arg3[%mul3A_2] : memref<2048xi32, #tpu.memory_space<hbm>> -> memref<64xi32, #tpu.memory_space<hbm>>
      %dma_start3A_22 = tpu.memref_slice %arg3[%mul3A_2] : memref<2048xi32, #tpu.memory_space<hbm>> -> memref<64xi32, #tpu.memory_space<hbm>>
      tpu.enqueue_dma source(%dma_start3A_22 : memref<64xi32, #tpu.memory_space<hbm>>) target(%arg8 : memref<64xi32, #tpu.memory_space<vmem>>) target_semaphore(%run_scoped3A : memref<!tpu.dma_semaphore, #tpu.memory_space<semaphore_mem>>)
      %dma_wait3A_23 = tpu.memref_slice %arg3[%mul3A_2] : memref<2048xi32, #tpu.memory_space<hbm>> -> memref<64xi32, #tpu.memory_space<hbm>>
      %dma_wait3A_24 = tpu.memref_slice %arg3[%mul3A_2] : memref<2048xi32, #tpu.memory_space<hbm>> -> memref<64xi32, #tpu.memory_space<hbm>>
      tpu.wait_dma2 semaphore(%run_scoped3A : memref<!tpu.dma_semaphore, #tpu.memory_space<semaphore_mem>>) src(%dma_wait3A_24 : memref<64xi32, #tpu.memory_space<hbm>>) dst(%arg8 : memref<64xi32, #tpu.memory_space<vmem>>)
      tpu.yield
    }) : () -> ()
    "tpu.region"() ({
      %run_scoped3A = tpu.sem_alloc : memref<!tpu.dma_semaphore, #tpu.memory_space<semaphore_mem>>
      %dma_start3A_21 = tpu.memref_slice %arg4[%mul3A_2] : memref<2048xi32, #tpu.memory_space<hbm>> -> memref<64xi32, #tpu.memory_space<hbm>>
      %dma_start3A_22 = tpu.memref_slice %arg4[%mul3A_2] : memref<2048xi32, #tpu.memory_space<hbm>> -> memref<64xi32, #tpu.memory_space<hbm>>
      tpu.enqueue_dma source(%dma_start3A_22 : memref<64xi32, #tpu.memory_space<hbm>>) target(%arg9 : memref<64xi32, #tpu.memory_space<vmem>>) target_semaphore(%run_scoped3A : memref<!tpu.dma_semaphore, #tpu.memory_space<semaphore_mem>>)
      %dma_wait3A_23 = tpu.memref_slice %arg4[%mul3A_2] : memref<2048xi32, #tpu.memory_space<hbm>> -> memref<64xi32, #tpu.memory_space<hbm>>
      %dma_wait3A_24 = tpu.memref_slice %arg4[%mul3A_2] : memref<2048xi32, #tpu.memory_space<hbm>> -> memref<64xi32, #tpu.memory_space<hbm>>
      tpu.wait_dma2 semaphore(%run_scoped3A : memref<!tpu.dma_semaphore, #tpu.memory_space<semaphore_mem>>) src(%dma_wait3A_24 : memref<64xi32, #tpu.memory_space<hbm>>) dst(%arg9 : memref<64xi32, #tpu.memory_space<vmem>>)
      tpu.yield
    }) : () -> ()
    %mul3A_3 = arith.constant 32 : i32
    %mul3A_4 = arith.muli %add3A, %mul3A_3 : i32
    "tpu.region"() ({
      %run_scoped3A = tpu.sem_alloc : memref<!tpu.dma_semaphore, #tpu.memory_space<semaphore_mem>>
      %dma_start3A_21 = tpu.memref_slice %arg5[%mul3A_4] : memref<1024xi32, #tpu.memory_space<hbm>> -> memref<32xi32, #tpu.memory_space<hbm>>
      %dma_start3A_22 = tpu.memref_slice %arg5[%mul3A_4] : memref<1024xi32, #tpu.memory_space<hbm>> -> memref<32xi32, #tpu.memory_space<hbm>>
      tpu.enqueue_dma source(%dma_start3A_22 : memref<32xi32, #tpu.memory_space<hbm>>) target(%arg12 : memref<32xi32, #tpu.memory_space<vmem>>) target_semaphore(%run_scoped3A : memref<!tpu.dma_semaphore, #tpu.memory_space<semaphore_mem>>)
      %dma_wait3A_23 = tpu.memref_slice %arg5[%mul3A_4] : memref<1024xi32, #tpu.memory_space<hbm>> -> memref<32xi32, #tpu.memory_space<hbm>>
      %dma_wait3A_24 = tpu.memref_slice %arg5[%mul3A_4] : memref<1024xi32, #tpu.memory_space<hbm>> -> memref<32xi32, #tpu.memory_space<hbm>>
      tpu.wait_dma2 semaphore(%run_scoped3A : memref<!tpu.dma_semaphore, #tpu.memory_space<semaphore_mem>>) src(%dma_wait3A_24 : memref<32xi32, #tpu.memory_space<hbm>>) dst(%arg12 : memref<32xi32, #tpu.memory_space<vmem>>)
      tpu.yield
    }) : () -> ()
    "tpu.region"() ({
      %run_scoped3A = tpu.sem_alloc : memref<!tpu.dma_semaphore, #tpu.memory_space<semaphore_mem>>
      tpu.enqueue_dma source(%arg6 : memref<32x1024xf32, #tpu.memory_space<hbm>>) target(%arg11 : memref<32x1024xf32, #tpu.memory_space<vmem>>) target_semaphore(%run_scoped3A : memref<!tpu.dma_semaphore, #tpu.memory_space<semaphore_mem>>)
      tpu.wait_dma2 semaphore(%run_scoped3A : memref<!tpu.dma_semaphore, #tpu.memory_space<semaphore_mem>>) src(%arg6 : memref<32x1024xf32, #tpu.memory_space<hbm>>) dst(%arg11 : memref<32x1024xf32, #tpu.memory_space<vmem>>)
      tpu.yield
    }) : () -> ()
    %dma_start3A = arith.constant 0 : i32
    %dma_start3A_5 = arith.constant 0 : i32
    %dma_start3A_6 = tpu.memref_slice %arg7[%dma_start3A, %dma_start3A_5] : memref<5120x1024xf32, #tpu.memory_space<hbm>> -> memref<5120x1024xf32, #tpu.memory_space<hbm>>
    tpu.enqueue_indirect_dma source(%arg10 : memref<64x1024xf32, #tpu.memory_space<vmem>>) target(%dma_start3A_6 : memref<5120x1024xf32, #tpu.memory_space<hbm>>) offsets(%arg8 : memref<64xi32, #tpu.memory_space<vmem>>) semaphore(%arg13 : memref<!tpu.dma_semaphore, #tpu.memory_space<semaphore_mem>>)
    %dma_start3A_7 = arith.constant 0 : i32
    %dma_start3A_8 = arith.constant 0 : i32
    %dma_start3A_9 = tpu.memref_slice %arg7[%dma_start3A_7, %dma_start3A_8] : memref<5120x1024xf32, #tpu.memory_space<hbm>> -> memref<5120x1024xf32, #tpu.memory_space<hbm>>
    tpu.enqueue_indirect_dma source(%arg10 : memref<64x1024xf32, #tpu.memory_space<vmem>>) target(%dma_start3A_9 : memref<5120x1024xf32, #tpu.memory_space<hbm>>) offsets(%arg9 : memref<64xi32, #tpu.memory_space<vmem>>) semaphore(%arg13 : memref<!tpu.dma_semaphore, #tpu.memory_space<semaphore_mem>>)
    %dma_start3A_10 = arith.constant 0 : i32
    %dma_start3A_11 = arith.constant 0 : i32
    %dma_start3A_12 = tpu.memref_slice %arg7[%dma_start3A_10, %dma_start3A_11] : memref<5120x1024xf32, #tpu.memory_space<hbm>> -> memref<5120x1024xf32, #tpu.memory_space<hbm>>
    tpu.enqueue_indirect_dma source(%arg11 : memref<32x1024xf32, #tpu.memory_space<vmem>>) target(%dma_start3A_12 : memref<5120x1024xf32, #tpu.memory_space<hbm>>) offsets(%arg12 : memref<32xi32, #tpu.memory_space<vmem>>) semaphore(%arg13 : memref<!tpu.dma_semaphore, #tpu.memory_space<semaphore_mem>>)
    %dma_wait3A = arith.constant 0 : i32
    %dma_wait3A_13 = arith.constant 0 : i32
    %dma_wait3A_14 = tpu.memref_slice %arg7[%dma_wait3A, %dma_wait3A_13] : memref<5120x1024xf32, #tpu.memory_space<hbm>> -> memref<5120x1024xf32, #tpu.memory_space<hbm>>
    tpu.wait_indirect_dma semaphore(%arg13 : memref<!tpu.dma_semaphore, #tpu.memory_space<semaphore_mem>>) src(%arg10 : memref<64x1024xf32, #tpu.memory_space<vmem>>) dst(%dma_wait3A_14 : memref<5120x1024xf32, #tpu.memory_space<hbm>>)
    %dma_wait3A_15 = arith.constant 0 : i32
    %dma_wait3A_16 = arith.constant 0 : i32
    %dma_wait3A_17 = tpu.memref_slice %arg7[%dma_wait3A_15, %dma_wait3A_16] : memref<5120x1024xf32, #tpu.memory_space<hbm>> -> memref<5120x1024xf32, #tpu.memory_space<hbm>>
    tpu.wait_indirect_dma semaphore(%arg13 : memref<!tpu.dma_semaphore, #tpu.memory_space<semaphore_mem>>) src(%arg10 : memref<64x1024xf32, #tpu.memory_space<vmem>>) dst(%dma_wait3A_17 : memref<5120x1024xf32, #tpu.memory_space<hbm>>)
    %dma_wait3A_18 = arith.constant 0 : i32
    %dma_wait3A_19 = arith.constant 0 : i32
    %dma_wait3A_20 = tpu.memref_slice %arg7[%dma_wait3A_18, %dma_wait3A_19] : memref<5120x1024xf32, #tpu.memory_space<hbm>> -> memref<5120x1024xf32, #tpu.memory_space<hbm>>
    tpu.wait_indirect_dma semaphore(%arg13 : memref<!tpu.dma_semaphore, #tpu.memory_space<semaphore_mem>>) src(%arg11 : memref<32x1024xf32, #tpu.memory_space<vmem>>) dst(%dma_wait3A_20 : memref<5120x1024xf32, #tpu.memory_space<hbm>>)
    return
  }
}

module {
  func.func @main(%arg0: i32, %arg1: i32, %arg2: i32, %arg3: memref<1x1024x1024xf32, #tpu.memory_space<vmem>>, %arg4: memref<1x1024x128xf32, #tpu.memory_space<vmem>>, %arg5: memref<1x1024x128xf32, #tpu.memory_space<vmem>>, %arg6: memref<1x1024x1xf32, #tpu.memory_space<vmem>>, %arg7: memref<1x1024x1xf32, #tpu.memory_space<vmem>>) attributes {dimension_semantics = [#tpu.dimension_semantics<parallel>, #tpu.dimension_semantics<parallel>, #tpu.dimension_semantics<arbitrary>], iteration_bounds = array<i64: 16, 2, 2>, scratch_operands = 2 : i64, window_params = [{transform_indices = @qk_fn, window_bounds = array<i64: 1, 1024, 1024>}, {transform_indices = @v_fn, window_bounds = array<i64: 1, 1024, 128>}, {transform_indices = @oi_fn, window_bounds = array<i64: 1, 1024, 128>}]} {
    %c0 = arith.constant 0 : index
    %c0_i32 = arith.constant 0 : i32
    %0 = arith.cmpi eq, %c0_i32, %arg2 : i32
    scf.if %0 {
      %cst_3 = arith.constant dense<0.000000e+00> : vector<1x1024x128xf32>
      vector.store %cst_3, %arg5[%c0, %c0, %c0] : memref<1x1024x128xf32, #tpu.memory_space<vmem>>, vector<1x1024x128xf32>
      %cst_4 = arith.constant dense<0xFF800000> : vector<1x1024x1xf32>
      vector.store %cst_4, %arg6[%c0, %c0, %c0] : memref<1x1024x1xf32, #tpu.memory_space<vmem>>, vector<1x1024x1xf32>
      %cst_5 = arith.constant dense<0.000000e+00> : vector<1x1024x1xf32>
      vector.store %cst_5, %arg7[%c0, %c0, %c0] : memref<1x1024x1xf32, #tpu.memory_space<vmem>>, vector<1x1024x1xf32>
    }
    %1 = vector.load %arg3[%c0, %c0, %c0] : memref<1x1024x1024xf32, #tpu.memory_space<vmem>>, vector<1x1024x1024xf32>
    %cst = arith.constant dense<0xFF800000> : vector<1x1024xf32>
    %2 = vector.multi_reduction <maximumf>, %1, %cst [2] : vector<1x1024x1024xf32> to vector<1x1024xf32>
    %3 = vector.shape_cast %2 : vector<1x1024xf32> to vector<1x1024x1xf32>
    %4 = vector.load %arg6[%c0, %c0, %c0] : memref<1x1024x1xf32, #tpu.memory_space<vmem>>, vector<1x1024x1xf32>
    %5 = arith.maximumf %4, %3 : vector<1x1024x1xf32>
    %cst_0 = arith.constant dense<0.000000e+00> : vector<1x1024x1xf32>
    %6 = arith.cmpf oeq, %4, %5 : vector<1x1024x1xf32>
    %7 = arith.subf %4, %5 : vector<1x1024x1xf32>
    %8 = arith.select %6, %cst_0, %7 : vector<1x1024x1xi1>, vector<1x1024x1xf32>
    %9 = vector.broadcast %5 : vector<1x1024x1xf32> to vector<1x1024x1024xf32>
    %10 = arith.subf %1, %9 : vector<1x1024x1024xf32>
    %11 = math.exp %10 : vector<1x1024x1024xf32>
    %cst_1 = arith.constant dense<0.000000e+00> : vector<1x1024xf32>
    %12 = vector.multi_reduction <add>, %11, %cst_1 [2] : vector<1x1024x1024xf32> to vector<1x1024xf32>
    %13 = vector.shape_cast %12 : vector<1x1024xf32> to vector<1x1024x1xf32>
    %14 = vector.load %arg7[%c0, %c0, %c0] : memref<1x1024x1xf32, #tpu.memory_space<vmem>>, vector<1x1024x1xf32>
    %15 = math.exp %8 : vector<1x1024x1xf32>
    %16 = arith.mulf %15, %14 : vector<1x1024x1xf32>
    %17 = arith.addf %16, %13 : vector<1x1024x1xf32>
    %18 = vector.load %arg5[%c0, %c0, %c0] : memref<1x1024x128xf32, #tpu.memory_space<vmem>>, vector<1x1024x128xf32>
    %19 = math.exp %8 : vector<1x1024x1xf32>
    %20 = arith.mulf %19, %14 : vector<1x1024x1xf32>
    %21 = vector.broadcast %20 : vector<1x1024x1xf32> to vector<1x1024x128xf32>
    %22 = arith.mulf %21, %18 : vector<1x1024x128xf32>
    %23 = vector.load %arg4[%c0, %c0, %c0] : memref<1x1024x128xf32, #tpu.memory_space<vmem>>, vector<1x1024x128xf32>
    %24 = vector.shape_cast %23 : vector<1x1024x128xf32> to vector<1024x128xf32>
    %25 = vector.shape_cast %11 : vector<1x1024x1024xf32> to vector<1024x1024xf32>
    %26 = vector.shape_cast %22 : vector<1x1024x128xf32> to vector<1024x128xf32>
    %27 = tpu.matmul %25, %24, %26 {dimension_numbers = #tpu.dot_dimension_numbers<[1], [0], [0], [1], [0, 0, 1, 1], [], []>, precision = #tpu.contract_precision<bf16>, transpose_lhs_hint = false} : vector<1024x1024xf32>, vector<1024x128xf32>, vector<1024x128xf32> -> vector<1024x128xf32>
    %28 = vector.shape_cast %27 : vector<1024x128xf32> to vector<1x1024x128xf32>
    %cst_2 = arith.constant dense<1.000000e+00> : vector<1x1024x1xf32>
    %29 = arith.divf %cst_2, %17 : vector<1x1024x1xf32>
    %30 = vector.broadcast %29 : vector<1x1024x1xf32> to vector<1x1024x128xf32>
    %31 = arith.mulf %28, %30 : vector<1x1024x128xf32>
    %32 = vector.shape_cast %31 : vector<1x1024x128xf32> to vector<1x1024x128xf32>
    vector.store %32, %arg5[%c0, %c0, %c0] : memref<1x1024x128xf32, #tpu.memory_space<vmem>>, vector<1x1024x128xf32>
    vector.store %5, %arg6[%c0, %c0, %c0] : memref<1x1024x1xf32, #tpu.memory_space<vmem>>, vector<1x1024x1xf32>
    vector.store %17, %arg7[%c0, %c0, %c0] : memref<1x1024x1xf32, #tpu.memory_space<vmem>>, vector<1x1024x1xf32>
    return
  }
  func.func @qk_fn(%arg0: i32, %arg1: i32, %arg2: i32) -> (i32, i32, i32) {
    return %arg0, %arg1, %arg2 : i32, i32, i32
  }
  func.func @v_fn(%arg0: i32, %arg1: i32, %arg2: i32) -> (i32, i32, i32) {
    %c0_i32 = arith.constant 0 : i32
    return %arg0, %arg2, %c0_i32 : i32, i32, i32
  }
  func.func @oi_fn(%arg0: i32, %arg1: i32, %arg2: i32) -> (i32, i32, i32) {
    %c0_i32 = arith.constant 0 : i32
    return %arg0, %arg1, %c0_i32 : i32, i32, i32
  }
}

module attributes {stable_mosaic.version = 14 : i64} {
  func.func @_dispatch_kernel(%arg0: i32, %arg1: memref<2048x128xi32, #tpu.memory_space<vmem>>, %arg2: memref<2048x1xi32, #tpu.memory_space<vmem>>, %arg3: memref<2048x1xi32, #tpu.memory_space<vmem>>, %arg4: memref<8x128xi32, #tpu.memory_space<vmem>>, %arg5: memref<1x128xi32, #tpu.memory_space<vmem>>) attributes {dimension_semantics = [#tpu.dimension_semantics<arbitrary>], iteration_bounds = array<i64: 1>, scalar_prefetch = 0 : i64, scratch_operands = 0 : i64, tpu.core_type = #tpu.core_type<tc>, window_params = [{pipeline_mode = #tpu.pipeline_mode<synchronous>, transform_indices = @transform_0, window_bounds = array<i64: 2048, 128>}, {pipeline_mode = #tpu.pipeline_mode<synchronous>, transform_indices = @transform_1, window_bounds = array<i64: 2048, 1>}, {pipeline_mode = #tpu.pipeline_mode<synchronous>, transform_indices = @transform_2, window_bounds = array<i64: 2048, 1>}, {pipeline_mode = #tpu.pipeline_mode<synchronous>, transform_indices = @transform_3, window_bounds = array<i64: 8, 128>}, {pipeline_mode = #tpu.pipeline_mode<synchronous>, transform_indices = @transform_4, window_bounds = array<i64: 1, 128>}]} {
    %get3A = arith.constant 0 : index
    %get3A_0 = arith.constant 0 : index
    %get3A_1 = vector.load %arg1[%get3A, %get3A_0] : memref<2048x128xi32, #tpu.memory_space<vmem>>, vector<2048x128xi32>
    %iota3A = tpu.iota {dimensions = array<i32: 1>} : vector<2048x128xi32>
    %slice3A = vector.extract_strided_slice %get3A_1 {offsets = [0, 0], sizes = [2048, 1], strides = [1, 1]} : vector<2048x128xi32> to vector<2048x1xi32>
    %slice3A_2 = vector.extract_strided_slice %get3A_1 {offsets = [0, 1], sizes = [2048, 1], strides = [1, 1]} : vector<2048x128xi32> to vector<2048x1xi32>
    %eq3A = vector.broadcast %slice3A : vector<2048x1xi32> to vector<2048x128xi32>
    %eq3A_3 = arith.cmpi eq, %iota3A, %eq3A : vector<2048x128xi32>
    %eq3A_4 = vector.broadcast %slice3A_2 : vector<2048x1xi32> to vector<2048x128xi32>
    %eq3A_5 = arith.cmpi eq, %iota3A, %eq3A_4 : vector<2048x128xi32>
    %or3A = arith.ori %eq3A_3, %eq3A_5 : vector<2048x128xi1>
    %convert_element_type3A = arith.extui %or3A : vector<2048x128xi1> to vector<2048x128xi32>
    %convert_element_type3A_6 = arith.sitofp %convert_element_type3A : vector<2048x128xi32> to vector<2048x128xf32>
    %iota3A_7 = tpu.iota {dimensions = array<i32: 0>} : vector<2048x2048xi32>
    %iota3A_8 = tpu.iota {dimensions = array<i32: 1>} : vector<2048x2048xi32>
    %ge3A = arith.cmpi sge, %iota3A_7, %iota3A_8 : vector<2048x2048xi32>
    %convert_element_type3A_9 = arith.extui %ge3A : vector<2048x2048xi1> to vector<2048x2048xi32>
    %convert_element_type3A_10 = arith.sitofp %convert_element_type3A_9 : vector<2048x2048xi32> to vector<2048x2048xf32>
    %dot_general3A = arith.constant dense<0.000000e+00> : vector<2048x128xf32>
    %dot_general3A_11 = tpu.matmul %convert_element_type3A_10, %convert_element_type3A_6, %dot_general3A {dimension_numbers = #tpu.dot_dimension_numbers<[1], [0], [0], [1], [0, 0, 1, 1], [], []>, transpose_lhs_hint = false} : vector<2048x2048xf32>, vector<2048x128xf32>, vector<2048x128xf32> -> vector<2048x128xf32>
    %slice3A_12 = vector.extract_strided_slice %dot_general3A_11 {offsets = [2047, 0], sizes = [1, 128], strides = [1, 1]} : vector<2048x128xf32> to vector<1x128xf32>
    %convert_element_type3A_13 = arith.fptosi %slice3A_12 : vector<1x128xf32> to vector<1x128xi32>
    %add3A = arith.constant 127 : i32
    %add3A_14 = vector.broadcast %add3A : i32 to vector<1x128xi32>
    %add3A_15 = arith.addi %convert_element_type3A_13, %add3A_14 : vector<1x128xi32>
    %jit3A = arith.constant 128 : i32
    %div3A = vector.broadcast %jit3A : i32 to vector<1x128xi32>
    %div3A_16 = arith.divsi %add3A_15, %div3A : vector<1x128xi32>
    %sign3A = arith.constant 0 : i32
    %sign3A_17 = vector.broadcast %sign3A : i32 to vector<1x128xi32>
    %sign3A_18 = arith.cmpi sgt, %add3A_15, %sign3A_17 : vector<1x128xi32>
    %sign3A_19 = arith.extui %sign3A_18 : vector<1x128xi1> to vector<1x128xi32>
    %sign3A_20 = arith.constant 0 : i32
    %sign3A_21 = vector.broadcast %sign3A_20 : i32 to vector<1x128xi32>
    %sign3A_22 = arith.cmpi slt, %add3A_15, %sign3A_21 : vector<1x128xi32>
    %sign3A_23 = arith.extui %sign3A_22 : vector<1x128xi1> to vector<1x128xi32>
    %sign3A_24 = arith.subi %sign3A_19, %sign3A_23 : vector<1x128xi32>
    %sign3A_25 = arith.constant 0 : i32
    %sign3A_26 = arith.cmpi sgt, %jit3A, %sign3A_25 : i32
    %sign3A_27 = arith.extui %sign3A_26 : i1 to i32
    %sign3A_28 = arith.constant 0 : i32
    %sign3A_29 = arith.cmpi slt, %jit3A, %sign3A_28 : i32
    %sign3A_30 = arith.extui %sign3A_29 : i1 to i32
    %sign3A_31 = arith.subi %sign3A_27, %sign3A_30 : i32
    %ne3A = vector.broadcast %sign3A_31 : i32 to vector<1x128xi32>
    %ne3A_32 = arith.cmpi ne, %sign3A_24, %ne3A : vector<1x128xi32>
    %rem3A = vector.broadcast %jit3A : i32 to vector<1x128xi32>
    %rem3A_33 = arith.remsi %add3A_15, %rem3A : vector<1x128xi32>
    %ne3A_34 = arith.constant 0 : i32
    %ne3A_35 = vector.broadcast %ne3A_34 : i32 to vector<1x128xi32>
    %ne3A_36 = arith.cmpi ne, %rem3A_33, %ne3A_35 : vector<1x128xi32>
    %and3A = arith.andi %ne3A_32, %ne3A_36 : vector<1x128xi1>
    %sub3A = arith.constant 1 : i32
    %sub3A_37 = vector.broadcast %sub3A : i32 to vector<1x128xi32>
    %sub3A_38 = arith.subi %div3A_16, %sub3A_37 : vector<1x128xi32>
    %select_n3A = arith.select %and3A, %sub3A_38, %div3A_16 : vector<1x128xi1>, vector<1x128xi32>
    %mul3A = arith.constant 128 : i32
    %mul3A_39 = vector.broadcast %mul3A : i32 to vector<1x128xi32>
    %mul3A_40 = arith.muli %select_n3A, %mul3A_39 : vector<1x128xi32>
    %convert_element_type3A_41 = arith.sitofp %mul3A_40 : vector<1x128xi32> to vector<1x128xf32>
    %iota3A_42 = tpu.iota {dimensions = array<i32: 0>} : vector<128x128xi32>
    %iota3A_43 = tpu.iota {dimensions = array<i32: 1>} : vector<128x128xi32>
    %le3A = arith.cmpi sle, %iota3A_42, %iota3A_43 : vector<128x128xi32>
    %convert_element_type3A_44 = arith.extui %le3A : vector<128x128xi1> to vector<128x128xi32>
    %convert_element_type3A_45 = arith.sitofp %convert_element_type3A_44 : vector<128x128xi32> to vector<128x128xf32>
    %dot_general3A_46 = arith.constant dense<0.000000e+00> : vector<1x128xf32>
    %dot_general3A_47 = tpu.matmul %convert_element_type3A_41, %convert_element_type3A_45, %dot_general3A_46 {dimension_numbers = #tpu.dot_dimension_numbers<[1], [0], [0], [1], [0, 0, 1, 1], [], []>, transpose_lhs_hint = false} : vector<1x128xf32>, vector<128x128xf32>, vector<1x128xf32> -> vector<1x128xf32>
    %sub3A_48 = arith.subf %dot_general3A_47, %convert_element_type3A_41 : vector<1x128xf32>
    %sub3A_49 = arith.subf %dot_general3A_11, %convert_element_type3A_6 : vector<2048x128xf32>
    %eq3A_50 = vector.broadcast %slice3A : vector<2048x1xi32> to vector<2048x128xi32>
    %eq3A_51 = arith.cmpi eq, %iota3A, %eq3A_50 : vector<2048x128xi32>
    %jit3A_52 = arith.constant 0.000000e+00 : f32
    %broadcast_in_dim3A = vector.shape_cast %sub3A_48 : vector<1x128xf32> to vector<1x128xf32>
    %broadcast_in_dim3A_53 = vector.broadcast %broadcast_in_dim3A : vector<1x128xf32> to vector<2048x128xf32>
    %broadcast_in_dim3A_54 = vector.broadcast %jit3A_52 : f32 to vector<2048x128xf32>
    %select_n3A_55 = arith.select %eq3A_51, %broadcast_in_dim3A_53, %broadcast_in_dim3A_54 : vector<2048x128xi1>, vector<2048x128xf32>
    %reduce_sum3A = arith.constant dense<0.000000e+00> : vector<2048xf32>
    %reduce_sum3A_56 = vector.multi_reduction <add>, %select_n3A_55, %reduce_sum3A [1] : vector<2048x128xf32> to vector<2048xf32>
    %broadcast_in_dim3A_57 = vector.shape_cast %reduce_sum3A_56 : vector<2048xf32> to vector<2048x1xf32>
    %eq3A_58 = vector.broadcast %slice3A : vector<2048x1xi32> to vector<2048x128xi32>
    %eq3A_59 = arith.cmpi eq, %iota3A, %eq3A_58 : vector<2048x128xi32>
    %jit3A_60 = arith.constant 0.000000e+00 : f32
    %broadcast_in_dim3A_61 = vector.broadcast %jit3A_60 : f32 to vector<2048x128xf32>
    %select_n3A_62 = arith.select %eq3A_59, %sub3A_49, %broadcast_in_dim3A_61 : vector<2048x128xi1>, vector<2048x128xf32>
    %reduce_sum3A_63 = arith.constant dense<0.000000e+00> : vector<2048xf32>
    %reduce_sum3A_64 = vector.multi_reduction <add>, %select_n3A_62, %reduce_sum3A_63 [1] : vector<2048x128xf32> to vector<2048xf32>
    %broadcast_in_dim3A_65 = vector.shape_cast %reduce_sum3A_64 : vector<2048xf32> to vector<2048x1xf32>
    %add3A_66 = arith.addf %broadcast_in_dim3A_57, %broadcast_in_dim3A_65 : vector<2048x1xf32>
    %convert_element_type3A_67 = arith.fptosi %add3A_66 : vector<2048x1xf32> to vector<2048x1xi32>
    %eq3A_68 = vector.broadcast %slice3A_2 : vector<2048x1xi32> to vector<2048x128xi32>
    %eq3A_69 = arith.cmpi eq, %iota3A, %eq3A_68 : vector<2048x128xi32>
    %jit3A_70 = arith.constant 0.000000e+00 : f32
    %broadcast_in_dim3A_71 = vector.shape_cast %sub3A_48 : vector<1x128xf32> to vector<1x128xf32>
    %broadcast_in_dim3A_72 = vector.broadcast %broadcast_in_dim3A_71 : vector<1x128xf32> to vector<2048x128xf32>
    %broadcast_in_dim3A_73 = vector.broadcast %jit3A_70 : f32 to vector<2048x128xf32>
    %select_n3A_74 = arith.select %eq3A_69, %broadcast_in_dim3A_72, %broadcast_in_dim3A_73 : vector<2048x128xi1>, vector<2048x128xf32>
    %reduce_sum3A_75 = arith.constant dense<0.000000e+00> : vector<2048xf32>
    %reduce_sum3A_76 = vector.multi_reduction <add>, %select_n3A_74, %reduce_sum3A_75 [1] : vector<2048x128xf32> to vector<2048xf32>
    %broadcast_in_dim3A_77 = vector.shape_cast %reduce_sum3A_76 : vector<2048xf32> to vector<2048x1xf32>
    %eq3A_78 = vector.broadcast %slice3A_2 : vector<2048x1xi32> to vector<2048x128xi32>
    %eq3A_79 = arith.cmpi eq, %iota3A, %eq3A_78 : vector<2048x128xi32>
    %jit3A_80 = arith.constant 0.000000e+00 : f32
    %broadcast_in_dim3A_81 = vector.broadcast %jit3A_80 : f32 to vector<2048x128xf32>
    %select_n3A_82 = arith.select %eq3A_79, %sub3A_49, %broadcast_in_dim3A_81 : vector<2048x128xi1>, vector<2048x128xf32>
    %reduce_sum3A_83 = arith.constant dense<0.000000e+00> : vector<2048xf32>
    %reduce_sum3A_84 = vector.multi_reduction <add>, %select_n3A_82, %reduce_sum3A_83 [1] : vector<2048x128xf32> to vector<2048xf32>
    %broadcast_in_dim3A_85 = vector.shape_cast %reduce_sum3A_84 : vector<2048xf32> to vector<2048x1xf32>
    %add3A_86 = arith.addf %broadcast_in_dim3A_77, %broadcast_in_dim3A_85 : vector<2048x1xf32>
    %convert_element_type3A_87 = arith.fptosi %add3A_86 : vector<2048x1xf32> to vector<2048x1xi32>
    %swap3A = arith.constant 0 : index
    %swap3A_88 = arith.constant 0 : index
    %swap3A_89 = vector.load %arg2[%swap3A, %swap3A_88] : memref<2048x1xi32, #tpu.memory_space<vmem>>, vector<2048x1xi32>
    tpu.vector_store %arg2[%swap3A, %swap3A_88], %convert_element_type3A_67 {strides = array<i32>} : memref<2048x1xi32, #tpu.memory_space<vmem>>, vector<2048x1xi32>,
    %swap3A_90 = arith.constant 0 : index
    %swap3A_91 = arith.constant 0 : index
    %swap3A_92 = vector.load %arg3[%swap3A_90, %swap3A_91] : memref<2048x1xi32, #tpu.memory_space<vmem>>, vector<2048x1xi32>
    tpu.vector_store %arg3[%swap3A_90, %swap3A_91], %convert_element_type3A_87 {strides = array<i32>} : memref<2048x1xi32, #tpu.memory_space<vmem>>, vector<2048x1xi32>,
    %sub3A_93 = arith.subf %convert_element_type3A_41, %slice3A_12 : vector<1x128xf32>
    %dot_general3A_94 = arith.constant dense<0.000000e+00> : vector<1x128xf32>
    %dot_general3A_95 = tpu.matmul %sub3A_93, %convert_element_type3A_45, %dot_general3A_94 {dimension_numbers = #tpu.dot_dimension_numbers<[1], [0], [0], [1], [0, 0, 1, 1], [], []>, transpose_lhs_hint = false} : vector<1x128xf32>, vector<128x128xf32>, vector<1x128xf32> -> vector<1x128xf32>
    %sub3A_96 = arith.subf %dot_general3A_95, %sub3A_93 : vector<1x128xf32>
    %slice3A_97 = vector.extract_strided_slice %dot_general3A_95 {offsets = [0, 7], sizes = [1, 1], strides = [1, 1]} : vector<1x128xf32> to vector<1x1xf32>
    %iota3A_98 = tpu.iota {dimensions = array<i32: 0>} : vector<8x128xi32>
    %iota3A_99 = tpu.iota {dimensions = array<i32: 1>} : vector<8x128xi32>
    %mul3A_100 = arith.constant 128 : i32
    %mul3A_101 = vector.broadcast %mul3A_100 : i32 to vector<8x128xi32>
    %mul3A_102 = arith.muli %iota3A_98, %mul3A_101 : vector<8x128xi32>
    %add3A_103 = arith.addi %mul3A_102, %iota3A_99 : vector<8x128xi32>
    %convert_element_type3A_104 = arith.sitofp %add3A_103 : vector<8x128xi32> to vector<8x128xf32>
    %broadcast_in_dim3A_105 = arith.constant 0 : i32
    %broadcast_in_dim3A_106 = vector.broadcast %broadcast_in_dim3A_105 : i32 to vector<8x128xi32>
    %slice3A_107 = vector.extract_strided_slice %dot_general3A_95 {offsets = [0, 0], sizes = [1, 1], strides = [1, 1]} : vector<1x128xf32> to vector<1x1xf32>
    %ge3A_108 = vector.broadcast %slice3A_107 : vector<1x1xf32> to vector<8x128xf32>
    %ge3A_109 = arith.cmpf oge, %convert_element_type3A_104, %ge3A_108 : vector<8x128xf32>
    %convert_element_type3A_110 = arith.extui %ge3A_109 : vector<8x128xi1> to vector<8x128xi32>
    %add3A_111 = arith.addi %broadcast_in_dim3A_106, %convert_element_type3A_110 : vector<8x128xi32>
    %slice3A_112 = vector.extract_strided_slice %dot_general3A_95 {offsets = [0, 1], sizes = [1, 1], strides = [1, 1]} : vector<1x128xf32> to vector<1x1xf32>
    %ge3A_113 = vector.broadcast %slice3A_112 : vector<1x1xf32> to vector<8x128xf32>
    %ge3A_114 = arith.cmpf oge, %convert_element_type3A_104, %ge3A_113 : vector<8x128xf32>
    %convert_element_type3A_115 = arith.extui %ge3A_114 : vector<8x128xi1> to vector<8x128xi32>
    %add3A_116 = arith.addi %add3A_111, %convert_element_type3A_115 : vector<8x128xi32>
    %slice3A_117 = vector.extract_strided_slice %dot_general3A_95 {offsets = [0, 2], sizes = [1, 1], strides = [1, 1]} : vector<1x128xf32> to vector<1x1xf32>
    %ge3A_118 = vector.broadcast %slice3A_117 : vector<1x1xf32> to vector<8x128xf32>
    %ge3A_119 = arith.cmpf oge, %convert_element_type3A_104, %ge3A_118 : vector<8x128xf32>
    %convert_element_type3A_120 = arith.extui %ge3A_119 : vector<8x128xi1> to vector<8x128xi32>
    %add3A_121 = arith.addi %add3A_116, %convert_element_type3A_120 : vector<8x128xi32>
    %slice3A_122 = vector.extract_strided_slice %dot_general3A_95 {offsets = [0, 3], sizes = [1, 1], strides = [1, 1]} : vector<1x128xf32> to vector<1x1xf32>
    %ge3A_123 = vector.broadcast %slice3A_122 : vector<1x1xf32> to vector<8x128xf32>
    %ge3A_124 = arith.cmpf oge, %convert_element_type3A_104, %ge3A_123 : vector<8x128xf32>
    %convert_element_type3A_125 = arith.extui %ge3A_124 : vector<8x128xi1> to vector<8x128xi32>
    %add3A_126 = arith.addi %add3A_121, %convert_element_type3A_125 : vector<8x128xi32>
    %slice3A_127 = vector.extract_strided_slice %dot_general3A_95 {offsets = [0, 4], sizes = [1, 1], strides = [1, 1]} : vector<1x128xf32> to vector<1x1xf32>
    %ge3A_128 = vector.broadcast %slice3A_127 : vector<1x1xf32> to vector<8x128xf32>
    %ge3A_129 = arith.cmpf oge, %convert_element_type3A_104, %ge3A_128 : vector<8x128xf32>
    %convert_element_type3A_130 = arith.extui %ge3A_129 : vector<8x128xi1> to vector<8x128xi32>
    %add3A_131 = arith.addi %add3A_126, %convert_element_type3A_130 : vector<8x128xi32>
    %slice3A_132 = vector.extract_strided_slice %dot_general3A_95 {offsets = [0, 5], sizes = [1, 1], strides = [1, 1]} : vector<1x128xf32> to vector<1x1xf32>
    %ge3A_133 = vector.broadcast %slice3A_132 : vector<1x1xf32> to vector<8x128xf32>
    %ge3A_134 = arith.cmpf oge, %convert_element_type3A_104, %ge3A_133 : vector<8x128xf32>
    %convert_element_type3A_135 = arith.extui %ge3A_134 : vector<8x128xi1> to vector<8x128xi32>
    %add3A_136 = arith.addi %add3A_131, %convert_element_type3A_135 : vector<8x128xi32>
    %slice3A_137 = vector.extract_strided_slice %dot_general3A_95 {offsets = [0, 6], sizes = [1, 1], strides = [1, 1]} : vector<1x128xf32> to vector<1x1xf32>
    %ge3A_138 = vector.broadcast %slice3A_137 : vector<1x1xf32> to vector<8x128xf32>
    %ge3A_139 = arith.cmpf oge, %convert_element_type3A_104, %ge3A_138 : vector<8x128xf32>
    %convert_element_type3A_140 = arith.extui %ge3A_139 : vector<8x128xi1> to vector<8x128xi32>
    %add3A_141 = arith.addi %add3A_136, %convert_element_type3A_140 : vector<8x128xi32>
    %slice3A_142 = vector.extract_strided_slice %dot_general3A_95 {offsets = [0, 7], sizes = [1, 1], strides = [1, 1]} : vector<1x128xf32> to vector<1x1xf32>
    %ge3A_143 = vector.broadcast %slice3A_142 : vector<1x1xf32> to vector<8x128xf32>
    %ge3A_144 = arith.cmpf oge, %convert_element_type3A_104, %ge3A_143 : vector<8x128xf32>
    %convert_element_type3A_145 = arith.extui %ge3A_144 : vector<8x128xi1> to vector<8x128xi32>
    %add3A_146 = arith.addi %add3A_141, %convert_element_type3A_145 : vector<8x128xi32>
    %min3A = arith.constant 7 : i32
    %min3A_147 = vector.broadcast %min3A : i32 to vector<8x128xi32>
    %min3A_148 = arith.minsi %add3A_146, %min3A_147 : vector<8x128xi32>
    %broadcast_in_dim3A_149 = arith.constant 0.000000e+00 : f32
    %broadcast_in_dim3A_150 = vector.broadcast %broadcast_in_dim3A_149 : f32 to vector<8x128xf32>
    %broadcast_in_dim3A_151 = arith.constant 0.000000e+00 : f32
    %broadcast_in_dim3A_152 = vector.broadcast %broadcast_in_dim3A_151 : f32 to vector<8x128xf32>
    %broadcast_in_dim3A_153 = arith.constant 0.000000e+00 : f32
    %broadcast_in_dim3A_154 = vector.broadcast %broadcast_in_dim3A_153 : f32 to vector<8x128xf32>
    %eq3A_155 = arith.constant 0 : i32
    %eq3A_156 = vector.broadcast %eq3A_155 : i32 to vector<8x128xi32>
    %eq3A_157 = arith.cmpi eq, %min3A_148, %eq3A_156 : vector<8x128xi32>
    %slice3A_158 = vector.extract_strided_slice %sub3A_48 {offsets = [0, 0], sizes = [1, 1], strides = [1, 1]} : vector<1x128xf32> to vector<1x1xf32>
    %jit3A_159 = arith.constant 0.000000e+00 : f32
    %broadcast_in_dim3A_160 = vector.shape_cast %slice3A_158 : vector<1x1xf32> to vector<1x1xf32>
    %broadcast_in_dim3A_161 = vector.broadcast %broadcast_in_dim3A_160 : vector<1x1xf32> to vector<8x128xf32>
    %broadcast_in_dim3A_162 = vector.broadcast %jit3A_159 : f32 to vector<8x128xf32>
    %select_n3A_163 = arith.select %eq3A_157, %broadcast_in_dim3A_161, %broadcast_in_dim3A_162 : vector<8x128xi1>, vector<8x128xf32>
    %add3A_164 = arith.addf %broadcast_in_dim3A_150, %select_n3A_163 : vector<8x128xf32>
    %slice3A_165 = vector.extract_strided_slice %slice3A_12 {offsets = [0, 0], sizes = [1, 1], strides = [1, 1]} : vector<1x128xf32> to vector<1x1xf32>
    %jit3A_166 = arith.constant 0.000000e+00 : f32
    %broadcast_in_dim3A_167 = vector.shape_cast %slice3A_165 : vector<1x1xf32> to vector<1x1xf32>
    %broadcast_in_dim3A_168 = vector.broadcast %broadcast_in_dim3A_167 : vector<1x1xf32> to vector<8x128xf32>
    %broadcast_in_dim3A_169 = vector.broadcast %jit3A_166 : f32 to vector<8x128xf32>
    %select_n3A_170 = arith.select %eq3A_157, %broadcast_in_dim3A_168, %broadcast_in_dim3A_169 : vector<8x128xi1>, vector<8x128xf32>
    %add3A_171 = arith.addf %broadcast_in_dim3A_152, %select_n3A_170 : vector<8x128xf32>
    %slice3A_172 = vector.extract_strided_slice %sub3A_96 {offsets = [0, 0], sizes = [1, 1], strides = [1, 1]} : vector<1x128xf32> to vector<1x1xf32>
    %jit3A_173 = arith.constant 0.000000e+00 : f32
    %broadcast_in_dim3A_174 = vector.shape_cast %slice3A_172 : vector<1x1xf32> to vector<1x1xf32>
    %broadcast_in_dim3A_175 = vector.broadcast %broadcast_in_dim3A_174 : vector<1x1xf32> to vector<8x128xf32>
    %broadcast_in_dim3A_176 = vector.broadcast %jit3A_173 : f32 to vector<8x128xf32>
    %select_n3A_177 = arith.select %eq3A_157, %broadcast_in_dim3A_175, %broadcast_in_dim3A_176 : vector<8x128xi1>, vector<8x128xf32>
    %add3A_178 = arith.addf %broadcast_in_dim3A_154, %select_n3A_177 : vector<8x128xf32>
    %eq3A_179 = arith.constant 1 : i32
    %eq3A_180 = vector.broadcast %eq3A_179 : i32 to vector<8x128xi32>
    %eq3A_181 = arith.cmpi eq, %min3A_148, %eq3A_180 : vector<8x128xi32>
    %slice3A_182 = vector.extract_strided_slice %sub3A_48 {offsets = [0, 1], sizes = [1, 1], strides = [1, 1]} : vector<1x128xf32> to vector<1x1xf32>
    %jit3A_183 = arith.constant 0.000000e+00 : f32
    %broadcast_in_dim3A_184 = vector.shape_cast %slice3A_182 : vector<1x1xf32> to vector<1x1xf32>
    %broadcast_in_dim3A_185 = vector.broadcast %broadcast_in_dim3A_184 : vector<1x1xf32> to vector<8x128xf32>
    %broadcast_in_dim3A_186 = vector.broadcast %jit3A_183 : f32 to vector<8x128xf32>
    %select_n3A_187 = arith.select %eq3A_181, %broadcast_in_dim3A_185, %broadcast_in_dim3A_186 : vector<8x128xi1>, vector<8x128xf32>
    %add3A_188 = arith.addf %add3A_164, %select_n3A_187 : vector<8x128xf32>
    %slice3A_189 = vector.extract_strided_slice %slice3A_12 {offsets = [0, 1], sizes = [1, 1], strides = [1, 1]} : vector<1x128xf32> to vector<1x1xf32>
    %jit3A_190 = arith.constant 0.000000e+00 : f32
    %broadcast_in_dim3A_191 = vector.shape_cast %slice3A_189 : vector<1x1xf32> to vector<1x1xf32>
    %broadcast_in_dim3A_192 = vector.broadcast %broadcast_in_dim3A_191 : vector<1x1xf32> to vector<8x128xf32>
    %broadcast_in_dim3A_193 = vector.broadcast %jit3A_190 : f32 to vector<8x128xf32>
    %select_n3A_194 = arith.select %eq3A_181, %broadcast_in_dim3A_192, %broadcast_in_dim3A_193 : vector<8x128xi1>, vector<8x128xf32>
    %add3A_195 = arith.addf %add3A_171, %select_n3A_194 : vector<8x128xf32>
    %slice3A_196 = vector.extract_strided_slice %sub3A_96 {offsets = [0, 1], sizes = [1, 1], strides = [1, 1]} : vector<1x128xf32> to vector<1x1xf32>
    %jit3A_197 = arith.constant 0.000000e+00 : f32
    %broadcast_in_dim3A_198 = vector.shape_cast %slice3A_196 : vector<1x1xf32> to vector<1x1xf32>
    %broadcast_in_dim3A_199 = vector.broadcast %broadcast_in_dim3A_198 : vector<1x1xf32> to vector<8x128xf32>
    %broadcast_in_dim3A_200 = vector.broadcast %jit3A_197 : f32 to vector<8x128xf32>
    %select_n3A_201 = arith.select %eq3A_181, %broadcast_in_dim3A_199, %broadcast_in_dim3A_200 : vector<8x128xi1>, vector<8x128xf32>
    %add3A_202 = arith.addf %add3A_178, %select_n3A_201 : vector<8x128xf32>
    %eq3A_203 = arith.constant 2 : i32
    %eq3A_204 = vector.broadcast %eq3A_203 : i32 to vector<8x128xi32>
    %eq3A_205 = arith.cmpi eq, %min3A_148, %eq3A_204 : vector<8x128xi32>
    %slice3A_206 = vector.extract_strided_slice %sub3A_48 {offsets = [0, 2], sizes = [1, 1], strides = [1, 1]} : vector<1x128xf32> to vector<1x1xf32>
    %jit3A_207 = arith.constant 0.000000e+00 : f32
    %broadcast_in_dim3A_208 = vector.shape_cast %slice3A_206 : vector<1x1xf32> to vector<1x1xf32>
    %broadcast_in_dim3A_209 = vector.broadcast %broadcast_in_dim3A_208 : vector<1x1xf32> to vector<8x128xf32>
    %broadcast_in_dim3A_210 = vector.broadcast %jit3A_207 : f32 to vector<8x128xf32>
    %select_n3A_211 = arith.select %eq3A_205, %broadcast_in_dim3A_209, %broadcast_in_dim3A_210 : vector<8x128xi1>, vector<8x128xf32>
    %add3A_212 = arith.addf %add3A_188, %select_n3A_211 : vector<8x128xf32>
    %slice3A_213 = vector.extract_strided_slice %slice3A_12 {offsets = [0, 2], sizes = [1, 1], strides = [1, 1]} : vector<1x128xf32> to vector<1x1xf32>
    %jit3A_214 = arith.constant 0.000000e+00 : f32
    %broadcast_in_dim3A_215 = vector.shape_cast %slice3A_213 : vector<1x1xf32> to vector<1x1xf32>
    %broadcast_in_dim3A_216 = vector.broadcast %broadcast_in_dim3A_215 : vector<1x1xf32> to vector<8x128xf32>
    %broadcast_in_dim3A_217 = vector.broadcast %jit3A_214 : f32 to vector<8x128xf32>
    %select_n3A_218 = arith.select %eq3A_205, %broadcast_in_dim3A_216, %broadcast_in_dim3A_217 : vector<8x128xi1>, vector<8x128xf32>
    %add3A_219 = arith.addf %add3A_195, %select_n3A_218 : vector<8x128xf32>
    %slice3A_220 = vector.extract_strided_slice %sub3A_96 {offsets = [0, 2], sizes = [1, 1], strides = [1, 1]} : vector<1x128xf32> to vector<1x1xf32>
    %jit3A_221 = arith.constant 0.000000e+00 : f32
    %broadcast_in_dim3A_222 = vector.shape_cast %slice3A_220 : vector<1x1xf32> to vector<1x1xf32>
    %broadcast_in_dim3A_223 = vector.broadcast %broadcast_in_dim3A_222 : vector<1x1xf32> to vector<8x128xf32>
    %broadcast_in_dim3A_224 = vector.broadcast %jit3A_221 : f32 to vector<8x128xf32>
    %select_n3A_225 = arith.select %eq3A_205, %broadcast_in_dim3A_223, %broadcast_in_dim3A_224 : vector<8x128xi1>, vector<8x128xf32>
    %add3A_226 = arith.addf %add3A_202, %select_n3A_225 : vector<8x128xf32>
    %eq3A_227 = arith.constant 3 : i32
    %eq3A_228 = vector.broadcast %eq3A_227 : i32 to vector<8x128xi32>
    %eq3A_229 = arith.cmpi eq, %min3A_148, %eq3A_228 : vector<8x128xi32>
    %slice3A_230 = vector.extract_strided_slice %sub3A_48 {offsets = [0, 3], sizes = [1, 1], strides = [1, 1]} : vector<1x128xf32> to vector<1x1xf32>
    %jit3A_231 = arith.constant 0.000000e+00 : f32
    %broadcast_in_dim3A_232 = vector.shape_cast %slice3A_230 : vector<1x1xf32> to vector<1x1xf32>
    %broadcast_in_dim3A_233 = vector.broadcast %broadcast_in_dim3A_232 : vector<1x1xf32> to vector<8x128xf32>
    %broadcast_in_dim3A_234 = vector.broadcast %jit3A_231 : f32 to vector<8x128xf32>
    %select_n3A_235 = arith.select %eq3A_229, %broadcast_in_dim3A_233, %broadcast_in_dim3A_234 : vector<8x128xi1>, vector<8x128xf32>
    %add3A_236 = arith.addf %add3A_212, %select_n3A_235 : vector<8x128xf32>
    %slice3A_237 = vector.extract_strided_slice %slice3A_12 {offsets = [0, 3], sizes = [1, 1], strides = [1, 1]} : vector<1x128xf32> to vector<1x1xf32>
    %jit3A_238 = arith.constant 0.000000e+00 : f32
    %broadcast_in_dim3A_239 = vector.shape_cast %slice3A_237 : vector<1x1xf32> to vector<1x1xf32>
    %broadcast_in_dim3A_240 = vector.broadcast %broadcast_in_dim3A_239 : vector<1x1xf32> to vector<8x128xf32>
    %broadcast_in_dim3A_241 = vector.broadcast %jit3A_238 : f32 to vector<8x128xf32>
    %select_n3A_242 = arith.select %eq3A_229, %broadcast_in_dim3A_240, %broadcast_in_dim3A_241 : vector<8x128xi1>, vector<8x128xf32>
    %add3A_243 = arith.addf %add3A_219, %select_n3A_242 : vector<8x128xf32>
    %slice3A_244 = vector.extract_strided_slice %sub3A_96 {offsets = [0, 3], sizes = [1, 1], strides = [1, 1]} : vector<1x128xf32> to vector<1x1xf32>
    %jit3A_245 = arith.constant 0.000000e+00 : f32
    %broadcast_in_dim3A_246 = vector.shape_cast %slice3A_244 : vector<1x1xf32> to vector<1x1xf32>
    %broadcast_in_dim3A_247 = vector.broadcast %broadcast_in_dim3A_246 : vector<1x1xf32> to vector<8x128xf32>
    %broadcast_in_dim3A_248 = vector.broadcast %jit3A_245 : f32 to vector<8x128xf32>
    %select_n3A_249 = arith.select %eq3A_229, %broadcast_in_dim3A_247, %broadcast_in_dim3A_248 : vector<8x128xi1>, vector<8x128xf32>
    %add3A_250 = arith.addf %add3A_226, %select_n3A_249 : vector<8x128xf32>
    %eq3A_251 = arith.constant 4 : i32
    %eq3A_252 = vector.broadcast %eq3A_251 : i32 to vector<8x128xi32>
    %eq3A_253 = arith.cmpi eq, %min3A_148, %eq3A_252 : vector<8x128xi32>
    %slice3A_254 = vector.extract_strided_slice %sub3A_48 {offsets = [0, 4], sizes = [1, 1], strides = [1, 1]} : vector<1x128xf32> to vector<1x1xf32>
    %jit3A_255 = arith.constant 0.000000e+00 : f32
    %broadcast_in_dim3A_256 = vector.shape_cast %slice3A_254 : vector<1x1xf32> to vector<1x1xf32>
    %broadcast_in_dim3A_257 = vector.broadcast %broadcast_in_dim3A_256 : vector<1x1xf32> to vector<8x128xf32>
    %broadcast_in_dim3A_258 = vector.broadcast %jit3A_255 : f32 to vector<8x128xf32>
    %select_n3A_259 = arith.select %eq3A_253, %broadcast_in_dim3A_257, %broadcast_in_dim3A_258 : vector<8x128xi1>, vector<8x128xf32>
    %add3A_260 = arith.addf %add3A_236, %select_n3A_259 : vector<8x128xf32>
    %slice3A_261 = vector.extract_strided_slice %slice3A_12 {offsets = [0, 4], sizes = [1, 1], strides = [1, 1]} : vector<1x128xf32> to vector<1x1xf32>
    %jit3A_262 = arith.constant 0.000000e+00 : f32
    %broadcast_in_dim3A_263 = vector.shape_cast %slice3A_261 : vector<1x1xf32> to vector<1x1xf32>
    %broadcast_in_dim3A_264 = vector.broadcast %broadcast_in_dim3A_263 : vector<1x1xf32> to vector<8x128xf32>
    %broadcast_in_dim3A_265 = vector.broadcast %jit3A_262 : f32 to vector<8x128xf32>
    %select_n3A_266 = arith.select %eq3A_253, %broadcast_in_dim3A_264, %broadcast_in_dim3A_265 : vector<8x128xi1>, vector<8x128xf32>
    %add3A_267 = arith.addf %add3A_243, %select_n3A_266 : vector<8x128xf32>
    %slice3A_268 = vector.extract_strided_slice %sub3A_96 {offsets = [0, 4], sizes = [1, 1], strides = [1, 1]} : vector<1x128xf32> to vector<1x1xf32>
    %jit3A_269 = arith.constant 0.000000e+00 : f32
    %broadcast_in_dim3A_270 = vector.shape_cast %slice3A_268 : vector<1x1xf32> to vector<1x1xf32>
    %broadcast_in_dim3A_271 = vector.broadcast %broadcast_in_dim3A_270 : vector<1x1xf32> to vector<8x128xf32>
    %broadcast_in_dim3A_272 = vector.broadcast %jit3A_269 : f32 to vector<8x128xf32>
    %select_n3A_273 = arith.select %eq3A_253, %broadcast_in_dim3A_271, %broadcast_in_dim3A_272 : vector<8x128xi1>, vector<8x128xf32>
    %add3A_274 = arith.addf %add3A_250, %select_n3A_273 : vector<8x128xf32>
    %eq3A_275 = arith.constant 5 : i32
    %eq3A_276 = vector.broadcast %eq3A_275 : i32 to vector<8x128xi32>
    %eq3A_277 = arith.cmpi eq, %min3A_148, %eq3A_276 : vector<8x128xi32>
    %slice3A_278 = vector.extract_strided_slice %sub3A_48 {offsets = [0, 5], sizes = [1, 1], strides = [1, 1]} : vector<1x128xf32> to vector<1x1xf32>
    %jit3A_279 = arith.constant 0.000000e+00 : f32
    %broadcast_in_dim3A_280 = vector.shape_cast %slice3A_278 : vector<1x1xf32> to vector<1x1xf32>
    %broadcast_in_dim3A_281 = vector.broadcast %broadcast_in_dim3A_280 : vector<1x1xf32> to vector<8x128xf32>
    %broadcast_in_dim3A_282 = vector.broadcast %jit3A_279 : f32 to vector<8x128xf32>
    %select_n3A_283 = arith.select %eq3A_277, %broadcast_in_dim3A_281, %broadcast_in_dim3A_282 : vector<8x128xi1>, vector<8x128xf32>
    %add3A_284 = arith.addf %add3A_260, %select_n3A_283 : vector<8x128xf32>
    %slice3A_285 = vector.extract_strided_slice %slice3A_12 {offsets = [0, 5], sizes = [1, 1], strides = [1, 1]} : vector<1x128xf32> to vector<1x1xf32>
    %jit3A_286 = arith.constant 0.000000e+00 : f32
    %broadcast_in_dim3A_287 = vector.shape_cast %slice3A_285 : vector<1x1xf32> to vector<1x1xf32>
    %broadcast_in_dim3A_288 = vector.broadcast %broadcast_in_dim3A_287 : vector<1x1xf32> to vector<8x128xf32>
    %broadcast_in_dim3A_289 = vector.broadcast %jit3A_286 : f32 to vector<8x128xf32>
    %select_n3A_290 = arith.select %eq3A_277, %broadcast_in_dim3A_288, %broadcast_in_dim3A_289 : vector<8x128xi1>, vector<8x128xf32>
    %add3A_291 = arith.addf %add3A_267, %select_n3A_290 : vector<8x128xf32>
    %slice3A_292 = vector.extract_strided_slice %sub3A_96 {offsets = [0, 5], sizes = [1, 1], strides = [1, 1]} : vector<1x128xf32> to vector<1x1xf32>
    %jit3A_293 = arith.constant 0.000000e+00 : f32
    %broadcast_in_dim3A_294 = vector.shape_cast %slice3A_292 : vector<1x1xf32> to vector<1x1xf32>
    %broadcast_in_dim3A_295 = vector.broadcast %broadcast_in_dim3A_294 : vector<1x1xf32> to vector<8x128xf32>
    %broadcast_in_dim3A_296 = vector.broadcast %jit3A_293 : f32 to vector<8x128xf32>
    %select_n3A_297 = arith.select %eq3A_277, %broadcast_in_dim3A_295, %broadcast_in_dim3A_296 : vector<8x128xi1>, vector<8x128xf32>
    %add3A_298 = arith.addf %add3A_274, %select_n3A_297 : vector<8x128xf32>
    %eq3A_299 = arith.constant 6 : i32
    %eq3A_300 = vector.broadcast %eq3A_299 : i32 to vector<8x128xi32>
    %eq3A_301 = arith.cmpi eq, %min3A_148, %eq3A_300 : vector<8x128xi32>
    %slice3A_302 = vector.extract_strided_slice %sub3A_48 {offsets = [0, 6], sizes = [1, 1], strides = [1, 1]} : vector<1x128xf32> to vector<1x1xf32>
    %jit3A_303 = arith.constant 0.000000e+00 : f32
    %broadcast_in_dim3A_304 = vector.shape_cast %slice3A_302 : vector<1x1xf32> to vector<1x1xf32>
    %broadcast_in_dim3A_305 = vector.broadcast %broadcast_in_dim3A_304 : vector<1x1xf32> to vector<8x128xf32>
    %broadcast_in_dim3A_306 = vector.broadcast %jit3A_303 : f32 to vector<8x128xf32>
    %select_n3A_307 = arith.select %eq3A_301, %broadcast_in_dim3A_305, %broadcast_in_dim3A_306 : vector<8x128xi1>, vector<8x128xf32>
    %add3A_308 = arith.addf %add3A_284, %select_n3A_307 : vector<8x128xf32>
    %slice3A_309 = vector.extract_strided_slice %slice3A_12 {offsets = [0, 6], sizes = [1, 1], strides = [1, 1]} : vector<1x128xf32> to vector<1x1xf32>
    %jit3A_310 = arith.constant 0.000000e+00 : f32
    %broadcast_in_dim3A_311 = vector.shape_cast %slice3A_309 : vector<1x1xf32> to vector<1x1xf32>
    %broadcast_in_dim3A_312 = vector.broadcast %broadcast_in_dim3A_311 : vector<1x1xf32> to vector<8x128xf32>
    %broadcast_in_dim3A_313 = vector.broadcast %jit3A_310 : f32 to vector<8x128xf32>
    %select_n3A_314 = arith.select %eq3A_301, %broadcast_in_dim3A_312, %broadcast_in_dim3A_313 : vector<8x128xi1>, vector<8x128xf32>
    %add3A_315 = arith.addf %add3A_291, %select_n3A_314 : vector<8x128xf32>
    %slice3A_316 = vector.extract_strided_slice %sub3A_96 {offsets = [0, 6], sizes = [1, 1], strides = [1, 1]} : vector<1x128xf32> to vector<1x1xf32>
    %jit3A_317 = arith.constant 0.000000e+00 : f32
    %broadcast_in_dim3A_318 = vector.shape_cast %slice3A_316 : vector<1x1xf32> to vector<1x1xf32>
    %broadcast_in_dim3A_319 = vector.broadcast %broadcast_in_dim3A_318 : vector<1x1xf32> to vector<8x128xf32>
    %broadcast_in_dim3A_320 = vector.broadcast %jit3A_317 : f32 to vector<8x128xf32>
    %select_n3A_321 = arith.select %eq3A_301, %broadcast_in_dim3A_319, %broadcast_in_dim3A_320 : vector<8x128xi1>, vector<8x128xf32>
    %add3A_322 = arith.addf %add3A_298, %select_n3A_321 : vector<8x128xf32>
    %eq3A_323 = arith.constant 7 : i32
    %eq3A_324 = vector.broadcast %eq3A_323 : i32 to vector<8x128xi32>
    %eq3A_325 = arith.cmpi eq, %min3A_148, %eq3A_324 : vector<8x128xi32>
    %slice3A_326 = vector.extract_strided_slice %sub3A_48 {offsets = [0, 7], sizes = [1, 1], strides = [1, 1]} : vector<1x128xf32> to vector<1x1xf32>
    %jit3A_327 = arith.constant 0.000000e+00 : f32
    %broadcast_in_dim3A_328 = vector.shape_cast %slice3A_326 : vector<1x1xf32> to vector<1x1xf32>
    %broadcast_in_dim3A_329 = vector.broadcast %broadcast_in_dim3A_328 : vector<1x1xf32> to vector<8x128xf32>
    %broadcast_in_dim3A_330 = vector.broadcast %jit3A_327 : f32 to vector<8x128xf32>
    %select_n3A_331 = arith.select %eq3A_325, %broadcast_in_dim3A_329, %broadcast_in_dim3A_330 : vector<8x128xi1>, vector<8x128xf32>
    %add3A_332 = arith.addf %add3A_308, %select_n3A_331 : vector<8x128xf32>
    %slice3A_333 = vector.extract_strided_slice %slice3A_12 {offsets = [0, 7], sizes = [1, 1], strides = [1, 1]} : vector<1x128xf32> to vector<1x1xf32>
    %jit3A_334 = arith.constant 0.000000e+00 : f32
    %broadcast_in_dim3A_335 = vector.shape_cast %slice3A_333 : vector<1x1xf32> to vector<1x1xf32>
    %broadcast_in_dim3A_336 = vector.broadcast %broadcast_in_dim3A_335 : vector<1x1xf32> to vector<8x128xf32>
    %broadcast_in_dim3A_337 = vector.broadcast %jit3A_334 : f32 to vector<8x128xf32>
    %select_n3A_338 = arith.select %eq3A_325, %broadcast_in_dim3A_336, %broadcast_in_dim3A_337 : vector<8x128xi1>, vector<8x128xf32>
    %add3A_339 = arith.addf %add3A_315, %select_n3A_338 : vector<8x128xf32>
    %slice3A_340 = vector.extract_strided_slice %sub3A_96 {offsets = [0, 7], sizes = [1, 1], strides = [1, 1]} : vector<1x128xf32> to vector<1x1xf32>
    %jit3A_341 = arith.constant 0.000000e+00 : f32
    %broadcast_in_dim3A_342 = vector.shape_cast %slice3A_340 : vector<1x1xf32> to vector<1x1xf32>
    %broadcast_in_dim3A_343 = vector.broadcast %broadcast_in_dim3A_342 : vector<1x1xf32> to vector<8x128xf32>
    %broadcast_in_dim3A_344 = vector.broadcast %jit3A_341 : f32 to vector<8x128xf32>
    %select_n3A_345 = arith.select %eq3A_325, %broadcast_in_dim3A_343, %broadcast_in_dim3A_344 : vector<8x128xi1>, vector<8x128xf32>
    %add3A_346 = arith.addf %add3A_322, %select_n3A_345 : vector<8x128xf32>
    %add3A_347 = arith.addf %add3A_332, %add3A_339 : vector<8x128xf32>
    %sub3A_348 = arith.subf %convert_element_type3A_104, %add3A_346 : vector<8x128xf32>
    %add3A_349 = arith.addf %add3A_347, %sub3A_348 : vector<8x128xf32>
    %add3A_350 = arith.constant 4.096000e+03 : f32
    %add3A_351 = vector.broadcast %add3A_350 : f32 to vector<8x128xf32>
    %add3A_352 = arith.addf %add3A_351, %convert_element_type3A_104 : vector<8x128xf32>
    %lt3A = vector.broadcast %slice3A_97 : vector<1x1xf32> to vector<8x128xf32>
    %lt3A_353 = arith.cmpf olt, %convert_element_type3A_104, %lt3A : vector<8x128xf32>
    %select_n3A_354 = arith.select %lt3A_353, %add3A_349, %add3A_352 : vector<8x128xi1>, vector<8x128xf32>
    %convert_element_type3A_355 = arith.fptosi %select_n3A_354 : vector<8x128xf32> to vector<8x128xi32>
    %swap3A_356 = arith.constant 0 : index
    %swap3A_357 = arith.constant 0 : index
    %swap3A_358 = vector.load %arg4[%swap3A_356, %swap3A_357] : memref<8x128xi32, #tpu.memory_space<vmem>>, vector<8x128xi32>
    tpu.vector_store %arg4[%swap3A_356, %swap3A_357], %convert_element_type3A_355 {strides = array<i32>} : memref<8x128xi32, #tpu.memory_space<vmem>>, vector<8x128xi32>,
    %iota3A_359 = tpu.iota {dimensions = array<i32: 1>} : vector<1x128xi32>
    %mul3A_360 = arith.constant 128 : i32
    %mul3A_361 = vector.broadcast %mul3A_360 : i32 to vector<1x128xi32>
    %mul3A_362 = arith.muli %iota3A_359, %mul3A_361 : vector<1x128xi32>
    %convert_element_type3A_363 = arith.sitofp %mul3A_362 : vector<1x128xi32> to vector<1x128xf32>
    %broadcast_in_dim3A_364 = arith.constant 0 : i32
    %broadcast_in_dim3A_365 = vector.broadcast %broadcast_in_dim3A_364 : i32 to vector<1x128xi32>
    %slice3A_366 = vector.extract_strided_slice %dot_general3A_47 {offsets = [0, 0], sizes = [1, 1], strides = [1, 1]} : vector<1x128xf32> to vector<1x1xf32>
    %ge3A_367 = vector.broadcast %slice3A_366 : vector<1x1xf32> to vector<1x128xf32>
    %ge3A_368 = arith.cmpf oge, %convert_element_type3A_363, %ge3A_367 : vector<1x128xf32>
    %convert_element_type3A_369 = arith.extui %ge3A_368 : vector<1x128xi1> to vector<1x128xi32>
    %add3A_370 = arith.addi %broadcast_in_dim3A_365, %convert_element_type3A_369 : vector<1x128xi32>
    %slice3A_371 = vector.extract_strided_slice %dot_general3A_47 {offsets = [0, 1], sizes = [1, 1], strides = [1, 1]} : vector<1x128xf32> to vector<1x1xf32>
    %ge3A_372 = vector.broadcast %slice3A_371 : vector<1x1xf32> to vector<1x128xf32>
    %ge3A_373 = arith.cmpf oge, %convert_element_type3A_363, %ge3A_372 : vector<1x128xf32>
    %convert_element_type3A_374 = arith.extui %ge3A_373 : vector<1x128xi1> to vector<1x128xi32>
    %add3A_375 = arith.addi %add3A_370, %convert_element_type3A_374 : vector<1x128xi32>
    %slice3A_376 = vector.extract_strided_slice %dot_general3A_47 {offsets = [0, 2], sizes = [1, 1], strides = [1, 1]} : vector<1x128xf32> to vector<1x1xf32>
    %ge3A_377 = vector.broadcast %slice3A_376 : vector<1x1xf32> to vector<1x128xf32>
    %ge3A_378 = arith.cmpf oge, %convert_element_type3A_363, %ge3A_377 : vector<1x128xf32>
    %convert_element_type3A_379 = arith.extui %ge3A_378 : vector<1x128xi1> to vector<1x128xi32>
    %add3A_380 = arith.addi %add3A_375, %convert_element_type3A_379 : vector<1x128xi32>
    %slice3A_381 = vector.extract_strided_slice %dot_general3A_47 {offsets = [0, 3], sizes = [1, 1], strides = [1, 1]} : vector<1x128xf32> to vector<1x1xf32>
    %ge3A_382 = vector.broadcast %slice3A_381 : vector<1x1xf32> to vector<1x128xf32>
    %ge3A_383 = arith.cmpf oge, %convert_element_type3A_363, %ge3A_382 : vector<1x128xf32>
    %convert_element_type3A_384 = arith.extui %ge3A_383 : vector<1x128xi1> to vector<1x128xi32>
    %add3A_385 = arith.addi %add3A_380, %convert_element_type3A_384 : vector<1x128xi32>
    %slice3A_386 = vector.extract_strided_slice %dot_general3A_47 {offsets = [0, 4], sizes = [1, 1], strides = [1, 1]} : vector<1x128xf32> to vector<1x1xf32>
    %ge3A_387 = vector.broadcast %slice3A_386 : vector<1x1xf32> to vector<1x128xf32>
    %ge3A_388 = arith.cmpf oge, %convert_element_type3A_363, %ge3A_387 : vector<1x128xf32>
    %convert_element_type3A_389 = arith.extui %ge3A_388 : vector<1x128xi1> to vector<1x128xi32>
    %add3A_390 = arith.addi %add3A_385, %convert_element_type3A_389 : vector<1x128xi32>
    %slice3A_391 = vector.extract_strided_slice %dot_general3A_47 {offsets = [0, 5], sizes = [1, 1], strides = [1, 1]} : vector<1x128xf32> to vector<1x1xf32>
    %ge3A_392 = vector.broadcast %slice3A_391 : vector<1x1xf32> to vector<1x128xf32>
    %ge3A_393 = arith.cmpf oge, %convert_element_type3A_363, %ge3A_392 : vector<1x128xf32>
    %convert_element_type3A_394 = arith.extui %ge3A_393 : vector<1x128xi1> to vector<1x128xi32>
    %add3A_395 = arith.addi %add3A_390, %convert_element_type3A_394 : vector<1x128xi32>
    %slice3A_396 = vector.extract_strided_slice %dot_general3A_47 {offsets = [0, 6], sizes = [1, 1], strides = [1, 1]} : vector<1x128xf32> to vector<1x1xf32>
    %ge3A_397 = vector.broadcast %slice3A_396 : vector<1x1xf32> to vector<1x128xf32>
    %ge3A_398 = arith.cmpf oge, %convert_element_type3A_363, %ge3A_397 : vector<1x128xf32>
    %convert_element_type3A_399 = arith.extui %ge3A_398 : vector<1x128xi1> to vector<1x128xi32>
    %add3A_400 = arith.addi %add3A_395, %convert_element_type3A_399 : vector<1x128xi32>
    %slice3A_401 = vector.extract_strided_slice %dot_general3A_47 {offsets = [0, 7], sizes = [1, 1], strides = [1, 1]} : vector<1x128xf32> to vector<1x1xf32>
    %ge3A_402 = vector.broadcast %slice3A_401 : vector<1x1xf32> to vector<1x128xf32>
    %ge3A_403 = arith.cmpf oge, %convert_element_type3A_363, %ge3A_402 : vector<1x128xf32>
    %convert_element_type3A_404 = arith.extui %ge3A_403 : vector<1x128xi1> to vector<1x128xi32>
    %add3A_405 = arith.addi %add3A_400, %convert_element_type3A_404 : vector<1x128xi32>
    %min3A_406 = arith.constant 7 : i32
    %min3A_407 = vector.broadcast %min3A_406 : i32 to vector<1x128xi32>
    %min3A_408 = arith.minsi %add3A_405, %min3A_407 : vector<1x128xi32>
    %swap3A_409 = arith.constant 0 : index
    %swap3A_410 = arith.constant 0 : index
    %swap3A_411 = vector.load %arg5[%swap3A_409, %swap3A_410] : memref<1x128xi32, #tpu.memory_space<vmem>>, vector<1x128xi32>
    tpu.vector_store %arg5[%swap3A_409, %swap3A_410], %min3A_408 {strides = array<i32>} : memref<1x128xi32, #tpu.memory_space<vmem>>, vector<1x128xi32>,
    return
  }
  func.func @transform_0(%arg0: i32) -> (i32, i32) {
    %c0_i32 = arith.constant 0 : i32
    %c0_i32_0 = arith.constant 0 : i32
    %c0_i32_1 = arith.constant 0 : i32
    return %c0_i32, %c0_i32_0 : i32, i32
  }
  func.func @transform_1(%arg0: i32) -> (i32, i32) {
    %c0_i32 = arith.constant 0 : i32
    %c0_i32_0 = arith.constant 0 : i32
    %c0_i32_1 = arith.constant 0 : i32
    return %c0_i32, %c0_i32_0 : i32, i32
  }
  func.func @transform_2(%arg0: i32) -> (i32, i32) {
    %c0_i32 = arith.constant 0 : i32
    %c0_i32_0 = arith.constant 0 : i32
    %c0_i32_1 = arith.constant 0 : i32
    return %c0_i32, %c0_i32_0 : i32, i32
  }
  func.func @transform_3(%arg0: i32) -> (i32, i32) {
    %c0_i32 = arith.constant 0 : i32
    %c0_i32_0 = arith.constant 0 : i32
    %c0_i32_1 = arith.constant 0 : i32
    return %c0_i32, %c0_i32_0 : i32, i32
  }
  func.func @transform_4(%arg0: i32) -> (i32, i32) {
    %c0_i32 = arith.constant 0 : i32
    %c0_i32_0 = arith.constant 0 : i32
    %c0_i32_1 = arith.constant 0 : i32
    return %c0_i32, %c0_i32_0 : i32, i32
  }
}

module attributes {stable_mosaic.version = 14 : i64} {
  func.func @_gffn_kernel(%arg0: i32, %arg1: memref<40xi32, #tpu.memory_space<smem>>, %arg2: memref<128x1024xf32, #tpu.memory_space<vmem>>, %arg3: memref<1x1024x768xf32, #tpu.memory_space<vmem>>, %arg4: memref<1x1024x768xf32, #tpu.memory_space<vmem>>, %arg5: memref<1x768x1024xf32, #tpu.memory_space<vmem>>, %arg6: memref<128x1024xf32, #tpu.memory_space<vmem>>) attributes {dimension_semantics = [#tpu.dimension_semantics<arbitrary>], iteration_bounds = array<i64: 40>, scalar_prefetch = 1 : i64, scratch_operands = 0 : i64, tpu.core_type = #tpu.core_type<tc>, window_params = [{transform_indices = @transform_0, window_bounds = array<i64: 128, 1024>}, {transform_indices = @transform_1, window_bounds = array<i64: 1, 1024, 768>}, {transform_indices = @transform_2, window_bounds = array<i64: 1, 1024, 768>}, {transform_indices = @transform_3, window_bounds = array<i64: 1, 768, 1024>}, {transform_indices = @transform_4, window_bounds = array<i64: 128, 1024>}]} {
    %get3A = arith.constant 0 : index
    %get3A_0 = arith.constant 0 : index
    %get3A_1 = vector.load %arg2[%get3A, %get3A_0] : memref<128x1024xf32, #tpu.memory_space<vmem>>, vector<128x1024xf32>
    %get3A_2 = arith.constant 0 : index
    %get3A_3 = arith.constant 0 : index
    %get3A_4 = arith.constant 0 : index
    %get3A_5 = vector.load %arg3[%get3A_2, %get3A_3, %get3A_4] : memref<1x1024x768xf32, #tpu.memory_space<vmem>>, vector<1x1024x768xf32>
    %get3A_6 = vector.shape_cast %get3A_5 : vector<1x1024x768xf32> to vector<1024x768xf32>
    %dot_general3A = arith.constant dense<0.000000e+00> : vector<128x768xf32>
    %dot_general3A_7 = tpu.matmul %get3A_1, %get3A_6, %dot_general3A {dimension_numbers = #tpu.dot_dimension_numbers<[1], [0], [0], [1], [0, 0, 1, 1], [], []>, transpose_lhs_hint = false} : vector<128x1024xf32>, vector<1024x768xf32>, vector<128x768xf32> -> vector<128x768xf32>
    %get3A_8 = arith.constant 0 : index
    %get3A_9 = arith.constant 0 : index
    %get3A_10 = arith.constant 0 : index
    %get3A_11 = vector.load %arg4[%get3A_8, %get3A_9, %get3A_10] : memref<1x1024x768xf32, #tpu.memory_space<vmem>>, vector<1x1024x768xf32>
    %get3A_12 = vector.shape_cast %get3A_11 : vector<1x1024x768xf32> to vector<1024x768xf32>
    %dot_general3A_13 = arith.constant dense<0.000000e+00> : vector<128x768xf32>
    %dot_general3A_14 = tpu.matmul %get3A_1, %get3A_12, %dot_general3A_13 {dimension_numbers = #tpu.dot_dimension_numbers<[1], [0], [0], [1], [0, 0, 1, 1], [], []>, transpose_lhs_hint = false} : vector<128x1024xf32>, vector<1024x768xf32>, vector<128x768xf32> -> vector<128x768xf32>
    %logistic3A = arith.negf %dot_general3A_7 : vector<128x768xf32>
    %logistic3A_15 = math.exp %logistic3A : vector<128x768xf32>
    %logistic3A_16 = arith.constant 1.000000e+00 : f32
    %logistic3A_17 = vector.broadcast %logistic3A_16 : f32 to vector<128x768xf32>
    %logistic3A_18 = arith.addf %logistic3A_17, %logistic3A_15 : vector<128x768xf32>
    %logistic3A_19 = arith.divf %logistic3A_17, %logistic3A_18 : vector<128x768xf32>
    %mul3A = arith.mulf %dot_general3A_7, %logistic3A_19 : vector<128x768xf32>
    %mul3A_20 = arith.mulf %mul3A, %dot_general3A_14 : vector<128x768xf32>
    %get3A_21 = arith.constant 0 : index
    %get3A_22 = arith.constant 0 : index
    %get3A_23 = arith.constant 0 : index
    %get3A_24 = vector.load %arg5[%get3A_21, %get3A_22, %get3A_23] : memref<1x768x1024xf32, #tpu.memory_space<vmem>>, vector<1x768x1024xf32>
    %get3A_25 = vector.shape_cast %get3A_24 : vector<1x768x1024xf32> to vector<768x1024xf32>
    %dot_general3A_26 = arith.constant dense<0.000000e+00> : vector<128x1024xf32>
    %dot_general3A_27 = tpu.matmul %mul3A_20, %get3A_25, %dot_general3A_26 {dimension_numbers = #tpu.dot_dimension_numbers<[1], [0], [0], [1], [0, 0, 1, 1], [], []>, transpose_lhs_hint = false} : vector<128x768xf32>, vector<768x1024xf32>, vector<128x1024xf32> -> vector<128x1024xf32>
    %swap3A = arith.constant 0 : index
    %swap3A_28 = arith.constant 0 : index
    %swap3A_29 = vector.load %arg6[%swap3A, %swap3A_28] : memref<128x1024xf32, #tpu.memory_space<vmem>>, vector<128x1024xf32>
    tpu.vector_store %arg6[%swap3A, %swap3A_28], %dot_general3A_27 {strides = array<i32>} : memref<128x1024xf32, #tpu.memory_space<vmem>>, vector<128x1024xf32>,
    return
  }
  func.func @transform_0(%arg0: i32, %arg1: memref<40xi32, #tpu.memory_space<smem>>) -> (i32, i32) {
    %c0_i32 = arith.constant 0 : i32
    %c0_i32_0 = arith.constant 0 : i32
    return %arg0, %c0_i32 : i32, i32
  }
  func.func @transform_1(%arg0: i32, %arg1: memref<40xi32, #tpu.memory_space<smem>>) -> (i32, i32, i32) {
    %get3A = arith.index_cast %arg0 : i32 to index
    %get3A_0 = memref.load %arg1[%get3A] : memref<40xi32, #tpu.memory_space<smem>>
    %c0_i32 = arith.constant 0 : i32
    %c0_i32_1 = arith.constant 0 : i32
    %c0_i32_2 = arith.constant 0 : i32
    return %get3A_0, %c0_i32, %c0_i32_1 : i32, i32, i32
  }
  func.func @transform_2(%arg0: i32, %arg1: memref<40xi32, #tpu.memory_space<smem>>) -> (i32, i32, i32) {
    %get3A = arith.index_cast %arg0 : i32 to index
    %get3A_0 = memref.load %arg1[%get3A] : memref<40xi32, #tpu.memory_space<smem>>
    %c0_i32 = arith.constant 0 : i32
    %c0_i32_1 = arith.constant 0 : i32
    %c0_i32_2 = arith.constant 0 : i32
    return %get3A_0, %c0_i32, %c0_i32_1 : i32, i32, i32
  }
  func.func @transform_3(%arg0: i32, %arg1: memref<40xi32, #tpu.memory_space<smem>>) -> (i32, i32, i32) {
    %get3A = arith.index_cast %arg0 : i32 to index
    %get3A_0 = memref.load %arg1[%get3A] : memref<40xi32, #tpu.memory_space<smem>>
    %c0_i32 = arith.constant 0 : i32
    %c0_i32_1 = arith.constant 0 : i32
    %c0_i32_2 = arith.constant 0 : i32
    return %get3A_0, %c0_i32, %c0_i32_1 : i32, i32, i32
  }
  func.func @transform_4(%arg0: i32, %arg1: memref<40xi32, #tpu.memory_space<smem>>) -> (i32, i32) {
    %c0_i32 = arith.constant 0 : i32
    %c0_i32_0 = arith.constant 0 : i32
    return %arg0, %c0_i32 : i32, i32
  }
}

module attributes {stable_mosaic.version = 14 : i64} {
  func.func @_comb_kernel(%arg0: i32, %arg1: memref<512x1024xf32, #tpu.memory_space<vmem>>, %arg2: memref<512x1024xf32, #tpu.memory_space<vmem>>, %arg3: memref<512x1xf32, #tpu.memory_space<vmem>>, %arg4: memref<512x1xf32, #tpu.memory_space<vmem>>, %arg5: memref<512x1024xf32, #tpu.memory_space<vmem>>) attributes {dimension_semantics = [#tpu.dimension_semantics<arbitrary>], iteration_bounds = array<i64: 4>, scalar_prefetch = 0 : i64, scratch_operands = 0 : i64, tpu.core_type = #tpu.core_type<tc>, window_params = [{transform_indices = @transform_0, window_bounds = array<i64: 512, 1024>}, {transform_indices = @transform_1, window_bounds = array<i64: 512, 1024>}, {transform_indices = @transform_2, window_bounds = array<i64: 512, 1>}, {transform_indices = @transform_3, window_bounds = array<i64: 512, 1>}, {transform_indices = @transform_4, window_bounds = array<i64: 512, 1024>}]} {
    %get3A = arith.constant 0 : index
    %get3A_0 = arith.constant 0 : index
    %get3A_1 = vector.load %arg3[%get3A, %get3A_0] : memref<512x1xf32, #tpu.memory_space<vmem>>, vector<512x1xf32>
    %get3A_2 = arith.constant 0 : index
    %get3A_3 = arith.constant 0 : index
    %get3A_4 = vector.load %arg1[%get3A_2, %get3A_3] : memref<512x1024xf32, #tpu.memory_space<vmem>>, vector<512x1024xf32>
    %mul3A = vector.broadcast %get3A_1 : vector<512x1xf32> to vector<512x1024xf32>
    %mul3A_5 = arith.mulf %mul3A, %get3A_4 : vector<512x1024xf32>
    %get3A_6 = arith.constant 0 : index
    %get3A_7 = arith.constant 0 : index
    %get3A_8 = vector.load %arg4[%get3A_6, %get3A_7] : memref<512x1xf32, #tpu.memory_space<vmem>>, vector<512x1xf32>
    %get3A_9 = arith.constant 0 : index
    %get3A_10 = arith.constant 0 : index
    %get3A_11 = vector.load %arg2[%get3A_9, %get3A_10] : memref<512x1024xf32, #tpu.memory_space<vmem>>, vector<512x1024xf32>
    %mul3A_12 = vector.broadcast %get3A_8 : vector<512x1xf32> to vector<512x1024xf32>
    %mul3A_13 = arith.mulf %mul3A_12, %get3A_11 : vector<512x1024xf32>
    %add3A = arith.addf %mul3A_5, %mul3A_13 : vector<512x1024xf32>
    %swap3A = arith.constant 0 : index
    %swap3A_14 = arith.constant 0 : index
    %swap3A_15 = vector.load %arg5[%swap3A, %swap3A_14] : memref<512x1024xf32, #tpu.memory_space<vmem>>, vector<512x1024xf32>
    tpu.vector_store %arg5[%swap3A, %swap3A_14], %add3A {strides = array<i32>} : memref<512x1024xf32, #tpu.memory_space<vmem>>, vector<512x1024xf32>,
    return
  }
  func.func @transform_0(%arg0: i32) -> (i32, i32) {
    %c0_i32 = arith.constant 0 : i32
    %c0_i32_0 = arith.constant 0 : i32
    return %arg0, %c0_i32 : i32, i32
  }
  func.func @transform_1(%arg0: i32) -> (i32, i32) {
    %c0_i32 = arith.constant 0 : i32
    %c0_i32_0 = arith.constant 0 : i32
    return %arg0, %c0_i32 : i32, i32
  }
  func.func @transform_2(%arg0: i32) -> (i32, i32) {
    %c0_i32 = arith.constant 0 : i32
    %c0_i32_0 = arith.constant 0 : i32
    return %arg0, %c0_i32 : i32, i32
  }
  func.func @transform_3(%arg0: i32) -> (i32, i32) {
    %c0_i32 = arith.constant 0 : i32
    %c0_i32_0 = arith.constant 0 : i32
    return %arg0, %c0_i32 : i32, i32
  }
  func.func @transform_4(%arg0: i32) -> (i32, i32) {
    %c0_i32 = arith.constant 0 : i32
    %c0_i32_0 = arith.constant 0 : i32
    return %arg0, %c0_i32 : i32, i32
  }
}

</mosaic_0001>

<sc_bundles>
// kernel: kernel.10.cloned.1.call-start
scs
__scs_entry_jumppad:
0x0: {  	(pc) =	sbr.rel $0x88, $3  }
0x1: {  	(tag) =	ssettag $0x0;
	lr =	simm.s32 $0x1  }
0x2: {  	[smem:$0x3F93] =	sst lr;
	_ =	strace $0xD0000000  }
0x3: {  	_ = 	snop  }
0x4: {  	_ = 	snop  }
0x5: {  	_ = 	snop  }
0x6: {  	_ = 	snop  }
0x7: {  	_ = 	snop  }
__scs_overlays_trampoline_lowered:
0x8: {  	[smem:$0x3FA2] =	sst s0  }
0x9: {  	[smem:$0x3FA3] =	sst s1  }
0xa: {  	[smem:$0x3FA4] =	sst s2  }
0xb: {  	[smem:$0x3FA5] =	sst s3  }
0xc: {  	[smem:$0x3FA6] =	sst s4  }
0xd: {  	[smem:$0x3FA7] =	sst s5  }
0xe: {  	[smem:$0x3FA8] =	sst s6  }
0xf: {  	[smem:$0x3FA9] =	sst s7  }
0x10: {  	[smem:$0x3FAA] =	sst s8  }
0x11: {  	[smem:$0x3FAB] =	sst s9;
	s0 =	simm.s32 @!p0 $0x0  }
0x12: {  	s1 =	sld [smem:$0x3F91];
	s0 =	simm.s32 @p0 $0x1  }
0x13: {  	[smem:$0x3FAC] =	sst s0;
	s0 =	simm.s32 @!p1 $0x0  }
0x14: {  	s2 =	sld [smem:$0x3F90];
	s0 =	simm.s32 @p1 $0x1  }
0x15: {  	[smem:$0x3FAD] =	sst s0;
	s0 =	simm.s32 @!p2 $0x0  }
0x16: {  	s3 =	sld [smem:$0x3FDB];
	s0 =	simm.s32 @p2 $0x1  }
0x17: {  	s4 =	simm.s32 $0x1BF5;
	[smem:$0x3FAF] =	sst s0  }
0x18: {  	s0 =	sld [smem:$0x3F92];
	_ =	swait.ge [sflag:s4], $0x0  }
0x19: {  	s7 =	sld [smem:$0x3F93]  }
0x1a: {  	s8 =	sadd.s32 $0xFFFFE003, lr  }
0x1b: {  	s9 =	sadd.s32 $0xFFFFFEF7, lr;
	s5 =	simm.s32 $0xFFFFFFFF;
	p2 =	slt.u32 s8, $0xFFFFF086  }
0x1c: {  	p1 =	slt.u32 s9, $0xF7A;
	s5 =	simm.s32 @!p2 $0x0  }
0x1d: {  	s5 =	simm.s32 @p1 $0x1;
	p0 =	seq.s32 s7, s2  }
0x1e: {  	s7 =	smul.u32 @!p0 $0xF7A, s2;
	p2 =	seq.s32 @!p0 s5, $0x0  }
0x1f: {  	s9 =	smul.u32 $0xF7A, s1;
	s8 =	simm.s32 @!p0 $0x1BF5;
	p2 =	por !p2, p0  }
0x20: {  	[sflag:s8] =	ssyncset.s32 @!p0 $0xFFFFF086;
	s6 =	sadd.s32 @!p0 s3, s7;
	s7 =	simm.s32 @!p0 $0x108  }
0x21: {  	s3 =	sadd.s32 s3, s9;
	s6 =	sadd.s32 @!p0 $0x88, s6;
	s7 =	simm.s32 @p2 $0x1082  }
0x22: {  	[simem:s7], [sflag:s8] =	dma.local @!p0 [hbm:s6], $0xF7A  }
0x23: {  	s9 =	sor.u32 $0xD0000000, s2;
	s6 =	simm.s32 $0x108;
	_ =	swait.ge @!p0 [sflag:s8], $0x0  }
0x24: {  	s3 =	sadd.s32 $0x88, s3;
	s6 =	simm.s32 @!p1 $0x1082;
	[sflag:s4] =	ssyncset.s32 $0xFFFFF086  }
0x25: {  	[simem:s6], [sflag:s4] =	dma.local [hbm:s3], $0xF7A  }
0x26: {  	[smem:$0x3F93] =	sst s1;
	(tag) =	ssettag s2;
	_ =	strace s9  }
0x27: {  	s1 =	sld [smem:$0x3FA3]  }
0x28: {  	s2 =	sld [smem:$0x3FA4]  }
0x29: {  	s4 =	sld [smem:$0x3FA6]  }
0x2a: {  	p0 =	seq.s32 s5, $0x0;
	s5 =	sld [smem:$0x3FA7]  }
0x2b: {  	s6 =	sld [smem:$0x3FA8]  }
0x2c: {  	s7 =	sld [smem:$0x3FA9]  }
0x2d: {  	s3 =	simm.s32 $0x108;
	s8 =	sld [smem:$0x3FAA]  }
0x2e: {  	s3 =	simm.s32 @!p0 $0x1082;
	s9 =	sld [smem:$0x3FAB]  }
0x2f: {  	lr =	sadd.s32 s0, s3;
	s0 =	sld [smem:$0x3FA2]  }
0x30: {  	s3 =	sld [smem:$0x3FA5]  }
0x31: {  	[smem:$0x3FAE] =	sst s10  }
0x32: {  	s10 =	sld [smem:$0x3FAC];
	_ =	sdelay $0x3  }
0x33: {  	p0 =	seq.s32 s10, $0x1;
	s10 =	sld [smem:$0x3FAE];
	_ =	sdelay $0x3  }
0x34: {  	[smem:$0x3FAE] =	sst s10  }
0x35: {  	s10 =	sld [smem:$0x3FAD];
	_ =	sdelay $0x3  }
0x36: {  	p1 =	seq.s32 s10, $0x1;
	s10 =	sld [smem:$0x3FAE];
	_ =	sdelay $0x3  }
0x37: {  	[smem:$0x3FAE] =	sst s10  }
0x38: {  	s10 =	sld [smem:$0x3FAF]  }
0x39: {  	_ = 	snop;
	(pc) =	sbr.ind lr, $3  }
0x3a: {  	_ = 	snop  }
0x3b: {  	_ = 	snop  }
0x3c: {  	p2 =	seq.s32 s10, $0x1;
	s10 =	sld [smem:$0x3FAE]  }
0x3d: {  	_ =	shalt  }
0x3e: {  	_ =	shalt  }
0x3f: {  	_ =	shalt  }
0x40: {  	_ =	shalt  }
0x41: {  	_ =	shalt  }
0x42: {  	_ =	shalt  }
0x43: {  	_ =	shalt  }
0x44: {  	_ =	shalt  }
0x45: {  	_ =	shalt  }
0x46: {  	_ =	shalt  }
0x47: {  	_ =	shalt  }
0x48: {  	_ =	shalt  }
0x49: {  	_ =	shalt  }
0x4a: {  	_ =	shalt  }
0x4b: {  	_ =	shalt  }
0x4c: {  	_ =	shalt  }
0x4d: {  	_ =	shalt  }
0x4e: {  	_ =	shalt  }
0x4f: {  	_ =	shalt  }
0x50: {  	_ =	shalt  }
0x51: {  	_ =	shalt  }
0x52: {  	_ =	shalt  }
0x53: {  	_ =	shalt  }
0x54: {  	_ =	shalt  }
0x55: {  	_ =	shalt  }
0x56: {  	_ =	shalt  }
0x57: {  	_ =	shalt  }
0x58: {  	_ =	shalt  }
0x59: {  	_ =	shalt  }
0x5a: {  	_ =	shalt  }
0x5b: {  	_ =	shalt  }
0x5c: {  	_ =	shalt  }
0x5d: {  	_ =	shalt  }
0x5e: {  	_ =	shalt  }
0x5f: {  	_ =	shalt  }
0x60: {  	_ =	shalt  }
0x61: {  	_ =	shalt  }
0x62: {  	_ =	shalt  }
0x63: {  	_ =	shalt  }
0x64: {  	_ =	shalt  }
0x65: {  	_ =	shalt  }
0x66: {  	_ =	shalt  }
0x67: {  	_ =	shalt  }
0x68: {  	_ =	shalt  }
0x69: {  	_ =	shalt  }
0x6a: {  	_ =	shalt  }
0x6b: {  	_ =	shalt  }
0x6c: {  	_ =	shalt  }
0x6d: {  	_ =	shalt  }
0x6e: {  	_ =	shalt  }
0x6f: {  	_ =	shalt  }
0x70: {  	_ =	shalt  }
0x71: {  	_ =	shalt  }
0x72: {  	_ =	shalt  }
0x73: {  	_ =	shalt  }
0x74: {  	_ =	shalt  }
0x75: {  	_ =	shalt  }
0x76: {  	_ =	shalt  }
0x77: {  	_ =	shalt  }
0x78: {  	_ =	shalt  }
0x79: {  	_ =	shalt  }
0x7a: {  	_ =	shalt  }
0x7b: {  	_ =	shalt  }
0x7c: {  	_ =	shalt  }
0x7d: {  	_ =	shalt  }
0x7e: {  	_ =	shalt  }
0x7f: {  	_ =	shalt  }
0x80: {  	_ =	shalt  }
0x81: {  	_ =	shalt  }
0x82: {  	_ =	shalt  }
0x83: {  	_ =	shalt  }
0x84: {  	_ =	shalt  }
0x85: {  	_ =	shalt  }
0x86: {  	_ =	shalt  }
0x87: {  	_ =	shalt  }
.Lfunc_end0:
.L_simem_size_0:
called_computation.1_lowered:
.L_overlay_start_0:
0x88: {  	s2 =	sld [smem:$0x3FD9]  }
0x89: {  	s3 =	sld [smem:$0x3FFE];
	_ =	sdelay $0x1  }
0x8a: {  	s1 =	srdreg.scid  }
0x8b: {  	s0 =	sand.u32 $0x1, s1  }
0x8c: {  	s14 =	sshll.u32 s0, $0xA;
	s2 =	sadd.s32 s3, s2  }
0x8d: {  	s2 =	sadd.s32 s2, s14  }
0x8e: {  	[smem:$0x3FBA] =	sst s2  }
0x8f: {  	_ = 	snop  }
0x90: {  	s2 =	sld [smem:$0x3FD0];
	_ =	sdelay $0x2  }
0x91: {  	s15 =	simm.s32 $0xA;
	s4 =	simm.s32 $0x10  }
0x92: {  	[smem:s4], [sflag:s15] =	dma.local [hbm:s2], $0x1  }
0x93: {  	_ =	swait.eq [sflag:s15], $0x1  }
0x94: {  	[sflag:s15] =	ssyncset.done $0x0  }
0x95: {  	[sflag:s15] =	ssyncadd.s32 $0xFFFFFFFF  }
0x96: {  	s16 =	sld [smem:$0x10];
	(tm) =	ssettm $0x1  }
0x97: {  	s17 =	sld [smem:$0x3FFB];
	_ =	sdelay $0x3  }
0x98: {  	_ =	strace s17  }
0x99: {  	s3 =	sld [smem:$0x3FFC];
	_ =	sdelay $0x3  }
0x9a: {  	_ =	strace s3  }
0x9b: {  	s3 =	sld [smem:$0x3FFD];
	_ =	sdelay $0x3  }
0x9c: {  	_ =	strace s3  }
0x9d: {  	_ =	strace $0x8FFFFFFF  }
0x9e: {  	s18 =	sld [smem:$0x3FDB];
	_ =	sdelay $0x1  }
0x9f: {  	s19 =	simm.s32 $_scs_section_size  }
0xa0: {  	s5 =	simm.s32 $_size__tile_overlayer_lowered;
	s6 =	simm.s32 $_tile_overlayer_lowered  }
0xa1: {  	s22 =	simm.s32 $0x1BFF;
	s21 =	sshll.u32 s6, $0x1;
	s3 =	sadd.s32 s19, s18  }
0xa2: {  	s7 =	simm.s32 $0x0;
	s20 =	sshll.u32 s5, $0x1;
	s5 =	sadd.s32 s21, s3  }
0xa3: {  	[timem:s7], [sflag:s22] =	dma.local [hbm:s5], s20  }
0xa4: {  	_ =	swait.ge [sflag:s22], s20  }
0xa5: {  	s4 =	ssub.s32 $0x0, s20;
	[sflag:s22] =	ssyncset.done $0x0  }
0xa6: {  	[sflag:s22] =	ssyncadd.s32 s4;
	_ =	sdelay $0x1  }
0xa7: {  	s23 =	simm.s32 $0x1B8B  }
0xa8: {  	_ =	swait.ge [sflag:s23], $0x1  }
0xa9: {  	[sflag:s23] =	ssyncset.done $0x0  }
0xaa: {  	s25 =	simm.s32 $0x1B8E;
	s24 =	sld [smem:$0x3FFE];
	[sflag:s23] =	ssyncadd.s32 $0xFFFFFFFF  }
0xab: {  	s26 =	simm.s32 $execute0_lowered;
	[smem:$0x3FD2] =	sst s25  }
0xac: {  	s5 =	sshll.u32 s26, $0x1;
	_ =	strace $0x80000049;
	[dreg:$0x1] =	wrdreg $0xFFFFFFFF  }
0xad: {  	s28 =	simm.s32 $_size_execute0_lowered;
	s3 =	sadd.s32 s3, s5;
	[dreg:$0x0] =	wrdreg $0x0  }
0xae: {  	s5 =	sshll.u32 s28, $0x1;
	[dreg:$0x2] =	wrdreg s3  }
0xaf: {  	[dreg:$0x3] =	wrdreg s5  }
0xb0: {  	[dreg:$0x4] =	wrdreg $0xC0  }
0xb1: {  	_ =	task [dreg:s7], $0x5FFFF  }
0xb2: {  	[dreg:$0x1] =	wrdreg $0xFFFFFFFF  }
0xb3: {  	[dreg:$0x0] =	wrdreg $0x60  }
0xb4: {  	[dreg:$0x2] =	wrdreg s24  }
0xb5: {  	[dreg:$0x3] =	wrdreg s16  }
0xb6: {  	[dreg:$0x4] =	wrdreg $0x9  }
0xb7: {  	_ =	task.clear_ibuf [dreg:s7], $0x5FFFF;
	_ =	strace $0x90000049  }
0xb8: {  	s29 =	simm.s32 $0x9;
	_ =	strace $0x8000004B  }
0xb9: {  	_ =	swait.ge [sflag:s29], $0x1  }
0xba: {  	[sflag:s29] =	ssyncadd.s32 $0xFFFFFFFF  }
0xbb: {  	_ =	strace $0x9000004B  }
0xbc: {  	_ =	sfence  }
0xbd: {  	s30 =	sld [smem:$0x0];
	_ =	sdelay $0x2  }
0xbe: {  	s31 =	sshll.u32 s1, $0xD;
	s1 =	sshrl.u32 s1, $0x2  }
0xbf: {  	s3 =	sand.u32 $0x4000, s31;
	s1 =	sadd.s32 s1, s30  }
0xc0: {  	s0 =	sor.u32 s3, s0;
	s1 =	sshll.u32 s1, $0x11  }
0xc1: {  	s0 =	sor.u32 s1, s0  }
0xc2: {  	s0 =	sadd.s32 $0x8F2B, s0  }
0xc3: {  	[sflag:s0] =	ssyncadd.remote.s32 $0x1  }
0xc4: {  	_ =	sfence.sel $0xFFFF  }
0xc5: {  	[dreg:$0x0] =	wrdreg $0xFFFFFFFF;
	(pc) =	sbr.abs _section_cstart, $3  }
0xc6: {  	[dreg:$0x1] =	wrdreg $0xFFFFFFFF  }
0xc7: {  	_ =	task.clear_ibuf [dreg:s7], $0x2FFFF;
	_ =	strace $0x9FFFFFFF  }
0xc8: {  	(tm) =	ssettm $0x7FFFFFFF  }
0xc9: {  	_ =	shalt  }
tec
execute0_lowered:
.L_overlay_start_1:
0x0: {  	(tag) =	ssettag $0x1  }
0x1: {  	s0 =	rddreg [dreg:$0x0]  }
0x2: {  	s1 =	rddreg [dreg:$0x1];
	s3 =	srdreg.scid  }
0x3: {  	s2 =	simm.s32 $0x0;
	s5 =	stileid.u32;
	s18 =	simm.s32 $0x1  }
0x4: {  	s20 =	simm.s32 $0x880;
	s21 =	simm.s32 $0x1080;
	s28 =	simm.s32 $0x4080  }
0x5: {  	s29 =	simm.s32 $0x4880;
	s30 =	simm.s32 $0x5080;
	s31 =	simm.s32 $0x5880  }
0x6: {  	s10 =	simm.s32 $0x7080;
	s11 =	simm.s32 $0x7880;
	s12 =	simm.s32 $0x8080  }
0x7: {  	s13 =	simm.s32 $0x8880;
	s14 =	simm.s32 $0x9080;
	s15 =	simm.s32 $0x9880  }
0x8: {  	s16 =	simm.s32 $0xA080;
	s17 =	simm.s32 $0xA880;
	s9 =	simm.s32 $0xB080  }
0x9: {  	s4 =	sand.u32 $0x1, s3;
	[smem:$0x7FF] =	sst s2;
	s22 =	sshll.u32 s5, $0x7  }
0xa: {  	s3 =	sadd.s32 $0x600, s0;
	s23 =	sshll.u32 s4, $0x6;
	s4 =	ssub.s32 $0x2, s4  }
0xb: {  	_ =	strace $0x8000004A;
	s5 =	sor.u32 s23, s22;
	s7 =	sshrl.u32 s4, $0x1  }
0xc: {  	s22 =	simm.s32 $0x1880;
	s23 =	simm.s32 $0x2080;
	s6 =	sshrl.u32 s5, $0x3  }
0xd: {  	s5 =	sshll.u32 s5, $0x7;
	s7 =	ssub.s32 s4, s7;
	s4 =	sadd.s32 $0x700, s0  }
0xe: {  	s6 =	sadd.s32 s6, s0;
	s8 =	sadd.s32 s5, s0;
	s1 =	sadd.s32 s1, s5  }
0xf: {  	s5 =	sadd.s32 $0x800, s0;
	s24 =	sadd.s32 $0x200, s6;
	[dreg:$0x4] =	wrdreg s1  }
0x10: {  	s7 =	smax.u32 s7, $0x1;
	s25 =	sadd.s32 $0x400, s6;
	[dreg:$0x3] =	wrdreg s24  }
0x11: {  	v2 =	vlaneseq.u32;
	s6 =	sadd.s32 $0x900, s0;
	s26 =	sadd.s32 $0xA0600, s8;
	[dreg:$0x5] =	wrdreg s25  }
0x12: {  	vm0 =	vmmov $0xffff;
	v1 =	vshrl.u32 v2, $0x3;
	s8 =	simm.s32 $0x2;
	s0 =	simm.s32 $0x80;
	[dreg:$0x6] =	wrdreg s26  }
0x13: {  	v0 =	vand.u32 $0x7, v2;
	v2 =	vor.u32 $0x8, v2;
	v1 =	vmul.u32 $0x8, v1;
	s24 =	simm.s32 $0x2880;
	s25 =	simm.s32 $0x3080;
	s26 =	simm.s32 $0x3880  }
.LBB2_1:
0x14: {  	s19 =	rddreg [dreg:$0x3]  }
0x15: {  	[tilespmem:s2], [sflag:$0x2] =	stream.linear.gather [hbm4b:s19+s2], $0x40, $0x38;
	[tilespmem:$0x10080] =	vst v63  }
0x16: {  	_ =	swait.ge [sflag:s8], $0x40  }
0x17: {  	[sflag:s8] =	ssyncset.done $0x0  }
0x18: {  	[sflag:s8] =	ssyncadd.s32 $0xFFFFFFC0  }
0x19: {  	v3 =	vld [tilespmem:$0x0];
	_ =	sdelay $0x4  }
0x1a: {  	v4 =	vshll.u32 v3, $0x3  }
0x1b: {  	v3 =	vand.u32 $0x7, v3;
	v4 =	vand.u32 $0xFFFFFFC0, v4  }
0x1c: {  	v3 =	vor.u32 v3, v4  }
0x1d: {  	v4 =	vperm.xlane v3, v0;
	_ =	sdelay $0x1  }
0x1e: {  	v4 =	vadd.s32 v1, v4;
	_ =	sdelay $0x4  }
0x1f: {  	[tilespmem:s0], [sflag:$0x1] =	stream.indirect_vreg.gather [hbm4b:s3+s2], $0x80, v4, vm0, $0xb8;
	[tilespmem:$0x10080] =	vst v63  }
0x20: {  	v3 =	vperm.xlane v3, v2  }
0x21: {  	[tilespmem:s20], [sflag:$0x1] =	stream.indirect_vreg.gather [hbm4b:s4+s2], $0x80, v4, vm0, $0xb8;
	[tilespmem:$0x10080] =	vst v63  }
0x22: {  	v3 =	vadd.s32 v1, v3  }
0x23: {  	[tilespmem:s21], [sflag:$0x1] =	stream.indirect_vreg.gather [hbm4b:s5+s2], $0x80, v4, vm0, $0xb8;
	[tilespmem:$0x10080] =	vst v63  }
0x24: {  	_ = 	snop  }
0x25: {  	[tilespmem:s22], [sflag:$0x1] =	stream.indirect_vreg.gather [hbm4b:s6+s2], $0x80, v4, vm0, $0xb8;
	[tilespmem:$0x10080] =	vst v63  }
0x26: {  	_ = 	snop  }
0x27: {  	[tilespmem:s23], [sflag:$0x1] =	stream.indirect_vreg.gather [hbm4b:s3+s2], $0x80, v3, vm0, $0xb8;
	[tilespmem:$0x10080] =	vst v63  }
0x28: {  	_ = 	snop  }
0x29: {  	[tilespmem:s24], [sflag:$0x1] =	stream.indirect_vreg.gather [hbm4b:s4+s2], $0x80, v3, vm0, $0xb8;
	[tilespmem:$0x10080] =	vst v63  }
0x2a: {  	_ = 	snop  }
0x2b: {  	[tilespmem:s25], [sflag:$0x1] =	stream.indirect_vreg.gather [hbm4b:s5+s2], $0x80, v3, vm0, $0xb8;
	[tilespmem:$0x10080] =	vst v63  }
0x2c: {  	_ = 	snop  }
0x2d: {  	[tilespmem:s26], [sflag:$0x1] =	stream.indirect_vreg.gather [hbm4b:s6+s2], $0x80, v3, vm0, $0xb8;
	[tilespmem:$0x10080] =	vst v63  }
0x2e: {  	v3 =	vld [tilespmem:$0x10];
	_ =	sdelay $0x4  }
0x2f: {  	v57 =	vshll.u32 v3, $0x3  }
0x30: {  	v3 =	vand.u32 $0x7, v3;
	v4 =	vand.u32 $0xFFFFFFC0, v57  }
0x31: {  	v3 =	vor.u32 v3, v4  }
0x32: {  	v4 =	vperm.xlane v3, v0;
	_ =	sdelay $0x1  }
0x33: {  	v4 =	vadd.s32 v1, v4;
	_ =	sdelay $0x4  }
0x34: {  	[tilespmem:s28], [sflag:$0x1] =	stream.indirect_vreg.gather [hbm4b:s3+s2], $0x80, v4, vm0, $0xb8;
	[tilespmem:$0x10080] =	vst v63  }
0x35: {  	v3 =	vperm.xlane v3, v2  }
0x36: {  	[tilespmem:s29], [sflag:$0x1] =	stream.indirect_vreg.gather [hbm4b:s4+s2], $0x80, v4, vm0, $0xb8;
	[tilespmem:$0x10080] =	vst v63  }
0x37: {  	v3 =	vadd.s32 v1, v3  }
0x38: {  	[tilespmem:s30], [sflag:$0x1] =	stream.indirect_vreg.gather [hbm4b:s5+s2], $0x80, v4, vm0, $0xb8;
	[tilespmem:$0x10080] =	vst v63  }
0x39: {  	_ = 	snop  }
0x3a: {  	[tilespmem:s31], [sflag:$0x1] =	stream.indirect_vreg.gather [hbm4b:s6+s2], $0x80, v4, vm0, $0xb8;
	[tilespmem:$0x10080] =	vst v63  }
0x3b: {  	s1 =	simm.s32 $0x6080  }
0x3c: {  	[tilespmem:s1], [sflag:$0x1] =	stream.indirect_vreg.gather [hbm4b:s3+s2], $0x80, v3, vm0, $0xb8;
	[tilespmem:$0x10080] =	vst v63  }
0x3d: {  	s1 =	simm.s32 $0x6880  }
0x3e: {  	[tilespmem:s1], [sflag:$0x1] =	stream.indirect_vreg.gather [hbm4b:s4+s2], $0x80, v3, vm0, $0xb8;
	[tilespmem:$0x10080] =	vst v63  }
0x3f: {  	_ = 	snop  }
0x40: {  	[tilespmem:s10], [sflag:$0x1] =	stream.indirect_vreg.gather [hbm4b:s5+s2], $0x80, v3, vm0, $0xb8;
	[tilespmem:$0x10080] =	vst v63  }
0x41: {  	_ = 	snop  }
0x42: {  	[tilespmem:s11], [sflag:$0x1] =	stream.indirect_vreg.gather [hbm4b:s6+s2], $0x80, v3, vm0, $0xb8;
	[tilespmem:$0x10080] =	vst v63  }
0x43: {  	v3 =	vld [tilespmem:$0x20];
	_ =	sdelay $0x4  }
0x44: {  	v58 =	vshll.u32 v3, $0x3  }
0x45: {  	v3 =	vand.u32 $0x7, v3;
	v4 =	vand.u32 $0xFFFFFFC0, v58  }
0x46: {  	v3 =	vor.u32 v3, v4  }
0x47: {  	v4 =	vperm.xlane v3, v0;
	_ =	sdelay $0x1  }
0x48: {  	v4 =	vadd.s32 v1, v4;
	_ =	sdelay $0x4  }
0x49: {  	[tilespmem:s12], [sflag:$0x1] =	stream.indirect_vreg.gather [hbm4b:s3+s2], $0x80, v4, vm0, $0xb8;
	[tilespmem:$0x10080] =	vst v63  }
0x4a: {  	v3 =	vperm.xlane v3, v2  }
0x4b: {  	[tilespmem:s13], [sflag:$0x1] =	stream.indirect_vreg.gather [hbm4b:s4+s2], $0x80, v4, vm0, $0xb8;
	[tilespmem:$0x10080] =	vst v63  }
0x4c: {  	v3 =	vadd.s32 v1, v3  }
0x4d: {  	[tilespmem:s14], [sflag:$0x1] =	stream.indirect_vreg.gather [hbm4b:s5+s2], $0x80, v4, vm0, $0xb8;
	[tilespmem:$0x10080] =	vst v63  }
0x4e: {  	_ = 	snop  }
0x4f: {  	[tilespmem:s15], [sflag:$0x1] =	stream.indirect_vreg.gather [hbm4b:s6+s2], $0x80, v4, vm0, $0xb8;
	[tilespmem:$0x10080] =	vst v63  }
0x50: {  	_ = 	snop  }
0x51: {  	[tilespmem:s16], [sflag:$0x1] =	stream.indirect_vreg.gather [hbm4b:s3+s2], $0x80, v3, vm0, $0xb8;
	[tilespmem:$0x10080] =	vst v63  }
0x52: {  	_ = 	snop  }
0x53: {  	[tilespmem:s17], [sflag:$0x1] =	stream.indirect_vreg.gather [hbm4b:s4+s2], $0x80, v3, vm0, $0xb8;
	[tilespmem:$0x10080] =	vst v63  }
0x54: {  	_ = 	snop  }
0x55: {  	[tilespmem:s9], [sflag:$0x1] =	stream.indirect_vreg.gather [hbm4b:s5+s2], $0x80, v3, vm0, $0xb8;
	[tilespmem:$0x10080] =	vst v63  }
0x56: {  	s19 =	simm.s32 $0xB880  }
0x57: {  	[tilespmem:s19], [sflag:$0x1] =	stream.indirect_vreg.gather [hbm4b:s6+s2], $0x80, v3, vm0, $0xb8;
	[tilespmem:$0x10080] =	vst v63  }
0x58: {  	v3 =	vld [tilespmem:$0x30];
	_ =	sdelay $0x4  }
0x59: {  	v59 =	vshll.u32 v3, $0x3  }
0x5a: {  	v3 =	vand.u32 $0x7, v3;
	v4 =	vand.u32 $0xFFFFFFC0, v59  }
0x5b: {  	v3 =	vor.u32 v3, v4  }
0x5c: {  	v4 =	vperm.xlane v3, v0;
	_ =	sdelay $0x1  }
0x5d: {  	v4 =	vadd.s32 v1, v4;
	_ =	sdelay $0x3  }
0x5e: {  	s19 =	simm.s32 $0xC080  }
0x5f: {  	[tilespmem:s19], [sflag:$0x1] =	stream.indirect_vreg.gather [hbm4b:s3+s2], $0x80, v4, vm0, $0xb8;
	[tilespmem:$0x10080] =	vst v63  }
0x60: {  	v3 =	vperm.xlane v3, v2;
	s19 =	simm.s32 $0xC880  }
0x61: {  	[tilespmem:s19], [sflag:$0x1] =	stream.indirect_vreg.gather [hbm4b:s4+s2], $0x80, v4, vm0, $0xb8;
	[tilespmem:$0x10080] =	vst v63  }
0x62: {  	v3 =	vadd.s32 v1, v3;
	s19 =	simm.s32 $0xD080  }
0x63: {  	[tilespmem:s19], [sflag:$0x1] =	stream.indirect_vreg.gather [hbm4b:s5+s2], $0x80, v4, vm0, $0xb8;
	[tilespmem:$0x10080] =	vst v63  }
0x64: {  	s19 =	simm.s32 $0xD880  }
0x65: {  	[tilespmem:s19], [sflag:$0x1] =	stream.indirect_vreg.gather [hbm4b:s6+s2], $0x80, v4, vm0, $0xb8;
	[tilespmem:$0x10080] =	vst v63  }
0x66: {  	s19 =	simm.s32 $0xE080  }
0x67: {  	[tilespmem:s19], [sflag:$0x1] =	stream.indirect_vreg.gather [hbm4b:s3+s2], $0x80, v3, vm0, $0xb8;
	[tilespmem:$0x10080] =	vst v63  }
0x68: {  	s19 =	simm.s32 $0xE880  }
0x69: {  	[tilespmem:s19], [sflag:$0x1] =	stream.indirect_vreg.gather [hbm4b:s4+s2], $0x80, v3, vm0, $0xb8;
	[tilespmem:$0x10080] =	vst v63  }
0x6a: {  	s19 =	simm.s32 $0xF080  }
0x6b: {  	[tilespmem:s19], [sflag:$0x1] =	stream.indirect_vreg.gather [hbm4b:s5+s2], $0x80, v3, vm0, $0xb8;
	[tilespmem:$0x10080] =	vst v63  }
0x6c: {  	s19 =	simm.s32 $0xF880  }
0x6d: {  	[tilespmem:s19], [sflag:$0x1] =	stream.indirect_vreg.gather [hbm4b:s6+s2], $0x80, v3, vm0, $0xb8;
	[tilespmem:$0x10080] =	vst v63  }
0x6e: {  	_ =	swait.ge [sflag:s18], $0x10000  }
0x6f: {  	[sflag:s18] =	ssyncset.done $0x0  }
0x70: {  	s19 =	rddreg [dreg:$0x4];
	[sflag:s18] =	ssyncadd.s32 $0xFFFF0000  }
0x71: {  	[hbm4b:s19+s2] =	stream.linear.scatter [tilespmem:s0], [sflag:$0x2], $0x10000, $0x38;
	[tilespmem:$0x10080] =	vst v63  }
0x72: {  	_ =	swait.ge [sflag:s8], $0x10000  }
0x73: {  	[sflag:s8] =	ssyncset.done $0x0  }
0x74: {  	s19 =	rddreg [dreg:$0x5];
	[sflag:s8] =	ssyncadd.s32 $0xFFFF0000  }
0x75: {  	[tilespmem:s2], [sflag:$0x2] =	stream.linear.gather [hbm4b:s19+s2], $0x40, $0x38;
	[tilespmem:$0x10080] =	vst v63  }
0x76: {  	_ =	swait.ge [sflag:s8], $0x40  }
0x77: {  	[sflag:s8] =	ssyncset.done $0x0  }
0x78: {  	[sflag:s8] =	ssyncadd.s32 $0xFFFFFFC0  }
0x79: {  	v3 =	vld [tilespmem:$0x0];
	_ =	sdelay $0x4  }
0x7a: {  	v60 =	vshll.u32 v3, $0x3  }
0x7b: {  	v3 =	vand.u32 $0x7, v3;
	v4 =	vand.u32 $0xFFFFFFC0, v60  }
0x7c: {  	v3 =	vor.u32 v3, v4  }
0x7d: {  	v4 =	vperm.xlane v3, v0;
	_ =	sdelay $0x1  }
0x7e: {  	v4 =	vadd.s32 v1, v4;
	_ =	sdelay $0x4  }
0x7f: {  	[tilespmem:s0], [sflag:$0x1] =	stream.indirect_vreg.gather [hbm4b:s3+s2], $0x80, v4, vm0, $0xb8;
	[tilespmem:$0x10080] =	vst v63  }
0x80: {  	v3 =	vperm.xlane v3, v2  }
0x81: {  	[tilespmem:s20], [sflag:$0x1] =	stream.indirect_vreg.gather [hbm4b:s4+s2], $0x80, v4, vm0, $0xb8;
	[tilespmem:$0x10080] =	vst v63  }
0x82: {  	v3 =	vadd.s32 v1, v3  }
0x83: {  	[tilespmem:s21], [sflag:$0x1] =	stream.indirect_vreg.gather [hbm4b:s5+s2], $0x80, v4, vm0, $0xb8;
	[tilespmem:$0x10080] =	vst v63  }
0x84: {  	_ = 	snop  }
0x85: {  	[tilespmem:s22], [sflag:$0x1] =	stream.indirect_vreg.gather [hbm4b:s6+s2], $0x80, v4, vm0, $0xb8;
	[tilespmem:$0x10080] =	vst v63  }
0x86: {  	_ = 	snop  }
0x87: {  	[tilespmem:s23], [sflag:$0x1] =	stream.indirect_vreg.gather [hbm4b:s3+s2], $0x80, v3, vm0, $0xb8;
	[tilespmem:$0x10080] =	vst v63  }
0x88: {  	_ = 	snop  }
0x89: {  	[tilespmem:s24], [sflag:$0x1] =	stream.indirect_vreg.gather [hbm4b:s4+s2], $0x80, v3, vm0, $0xb8;
	[tilespmem:$0x10080] =	vst v63  }
0x8a: {  	_ = 	snop  }
0x8b: {  	[tilespmem:s25], [sflag:$0x1] =	stream.indirect_vreg.gather [hbm4b:s5+s2], $0x80, v3, vm0, $0xb8;
	[tilespmem:$0x10080] =	vst v63  }
0x8c: {  	_ = 	snop  }
0x8d: {  	[tilespmem:s26], [sflag:$0x1] =	stream.indirect_vreg.gather [hbm4b:s6+s2], $0x80, v3, vm0, $0xb8;
	[tilespmem:$0x10080] =	vst v63  }
0x8e: {  	v3 =	vld [tilespmem:$0x10];
	_ =	sdelay $0x4  }
0x8f: {  	v61 =	vshll.u32 v3, $0x3  }
0x90: {  	v3 =	vand.u32 $0x7, v3;
	v4 =	vand.u32 $0xFFFFFFC0, v61  }
0x91: {  	v3 =	vor.u32 v3, v4  }
0x92: {  	v4 =	vperm.xlane v3, v0;
	_ =	sdelay $0x1  }
0x93: {  	v4 =	vadd.s32 v1, v4;
	_ =	sdelay $0x4  }
0x94: {  	[tilespmem:s28], [sflag:$0x1] =	stream.indirect_vreg.gather [hbm4b:s3+s2], $0x80, v4, vm0, $0xb8;
	[tilespmem:$0x10080] =	vst v63  }
0x95: {  	v3 =	vperm.xlane v3, v2  }
0x96: {  	[tilespmem:s29], [sflag:$0x1] =	stream.indirect_vreg.gather [hbm4b:s4+s2], $0x80, v4, vm0, $0xb8;
	[tilespmem:$0x10080] =	vst v63  }
0x97: {  	v3 =	vadd.s32 v1, v3  }
0x98: {  	[tilespmem:s30], [sflag:$0x1] =	stream.indirect_vreg.gather [hbm4b:s5+s2], $0x80, v4, vm0, $0xb8;
	[tilespmem:$0x10080] =	vst v63  }
0x99: {  	_ = 	snop  }
0x9a: {  	[tilespmem:s31], [sflag:$0x1] =	stream.indirect_vreg.gather [hbm4b:s6+s2], $0x80, v4, vm0, $0xb8;
	[tilespmem:$0x10080] =	vst v63  }
0x9b: {  	s19 =	simm.s32 $0x6080  }
0x9c: {  	[tilespmem:s19], [sflag:$0x1] =	stream.indirect_vreg.gather [hbm4b:s3+s2], $0x80, v3, vm0, $0xb8;
	[tilespmem:$0x10080] =	vst v63  }
0x9d: {  	_ = 	snop  }
0x9e: {  	[tilespmem:s1], [sflag:$0x1] =	stream.indirect_vreg.gather [hbm4b:s4+s2], $0x80, v3, vm0, $0xb8;
	[tilespmem:$0x10080] =	vst v63  }
0x9f: {  	_ = 	snop  }
0xa0: {  	[tilespmem:s10], [sflag:$0x1] =	stream.indirect_vreg.gather [hbm4b:s5+s2], $0x80, v3, vm0, $0xb8;
	[tilespmem:$0x10080] =	vst v63  }
0xa1: {  	_ = 	snop  }
0xa2: {  	[tilespmem:s11], [sflag:$0x1] =	stream.indirect_vreg.gather [hbm4b:s6+s2], $0x80, v3, vm0, $0xb8;
	[tilespmem:$0x10080] =	vst v63  }
0xa3: {  	v3 =	vld [tilespmem:$0x20];
	_ =	sdelay $0x4  }
0xa4: {  	v62 =	vshll.u32 v3, $0x3  }
0xa5: {  	v3 =	vand.u32 $0x7, v3;
	v4 =	vand.u32 $0xFFFFFFC0, v62  }
0xa6: {  	v3 =	vor.u32 v3, v4  }
0xa7: {  	v4 =	vperm.xlane v3, v0;
	_ =	sdelay $0x1  }
0xa8: {  	v4 =	vadd.s32 v1, v4;
	_ =	sdelay $0x4  }
0xa9: {  	[tilespmem:s12], [sflag:$0x1] =	stream.indirect_vreg.gather [hbm4b:s3+s2], $0x80, v4, vm0, $0xb8;
	[tilespmem:$0x10080] =	vst v63  }
0xaa: {  	v3 =	vperm.xlane v3, v2  }
0xab: {  	[tilespmem:s13], [sflag:$0x1] =	stream.indirect_vreg.gather [hbm4b:s4+s2], $0x80, v4, vm0, $0xb8;
	[tilespmem:$0x10080] =	vst v63  }
0xac: {  	v3 =	vadd.s32 v1, v3  }
0xad: {  	[tilespmem:s14], [sflag:$0x1] =	stream.indirect_vreg.gather [hbm4b:s5+s2], $0x80, v4, vm0, $0xb8;
	[tilespmem:$0x10080] =	vst v63  }
0xae: {  	_ = 	snop  }
0xaf: {  	[tilespmem:s15], [sflag:$0x1] =	stream.indirect_vreg.gather [hbm4b:s6+s2], $0x80, v4, vm0, $0xb8;
	[tilespmem:$0x10080] =	vst v63  }
0xb0: {  	_ = 	snop  }
0xb1: {  	[tilespmem:s16], [sflag:$0x1] =	stream.indirect_vreg.gather [hbm4b:s3+s2], $0x80, v3, vm0, $0xb8;
	[tilespmem:$0x10080] =	vst v63  }
0xb2: {  	_ = 	snop  }
0xb3: {  	[tilespmem:s17], [sflag:$0x1] =	stream.indirect_vreg.gather [hbm4b:s4+s2], $0x80, v3, vm0, $0xb8;
	[tilespmem:$0x10080] =	vst v63  }
0xb4: {  	_ = 	snop  }
0xb5: {  	[tilespmem:s9], [sflag:$0x1] =	stream.indirect_vreg.gather [hbm4b:s5+s2], $0x80, v3, vm0, $0xb8;
	[tilespmem:$0x10080] =	vst v63  }
0xb6: {  	s19 =	simm.s32 $0xB880  }
0xb7: {  	[tilespmem:s19], [sflag:$0x1] =	stream.indirect_vreg.gather [hbm4b:s6+s2], $0x80, v3, vm0, $0xb8;
	[tilespmem:$0x10080] =	vst v63  }
0xb8: {  	v3 =	vld [tilespmem:$0x30];
	_ =	sdelay $0x4  }
0xb9: {  	v63 =	vshll.u32 v3, $0x3  }
0xba: {  	v3 =	vand.u32 $0x7, v3;
	v4 =	vand.u32 $0xFFFFFFC0, v63  }
0xbb: {  	v3 =	vor.u32 v3, v4  }
0xbc: {  	v4 =	vperm.xlane v3, v0;
	_ =	sdelay $0x1  }
0xbd: {  	v4 =	vadd.s32 v1, v4;
	_ =	sdelay $0x3  }
0xbe: {  	s19 =	simm.s32 $0xC080  }
0xbf: {  	[tilespmem:s19], [sflag:$0x1] =	stream.indirect_vreg.gather [hbm4b:s3+s2], $0x80, v4, vm0, $0xb8;
	[tilespmem:$0x10080] =	vst v63  }
0xc0: {  	v3 =	vperm.xlane v3, v2;
	s19 =	simm.s32 $0xC880  }
0xc1: {  	[tilespmem:s19], [sflag:$0x1] =	stream.indirect_vreg.gather [hbm4b:s4+s2], $0x80, v4, vm0, $0xb8;
	[tilespmem:$0x10080] =	vst v63  }
0xc2: {  	v3 =	vadd.s32 v1, v3;
	s19 =	simm.s32 $0xD080  }
0xc3: {  	[tilespmem:s19], [sflag:$0x1] =	stream.indirect_vreg.gather [hbm4b:s5+s2], $0x80, v4, vm0, $0xb8;
	[tilespmem:$0x10080] =	vst v63  }
0xc4: {  	s19 =	simm.s32 $0xD880  }
0xc5: {  	[tilespmem:s19], [sflag:$0x1] =	stream.indirect_vreg.gather [hbm4b:s6+s2], $0x80, v4, vm0, $0xb8;
	[tilespmem:$0x10080] =	vst v63  }
0xc6: {  	s19 =	simm.s32 $0xE080  }
0xc7: {  	[tilespmem:s19], [sflag:$0x1] =	stream.indirect_vreg.gather [hbm4b:s3+s2], $0x80, v3, vm0, $0xb8;
	[tilespmem:$0x10080] =	vst v63  }
0xc8: {  	s19 =	simm.s32 $0xE880  }
0xc9: {  	[tilespmem:s19], [sflag:$0x1] =	stream.indirect_vreg.gather [hbm4b:s4+s2], $0x80, v3, vm0, $0xb8;
	[tilespmem:$0x10080] =	vst v63  }
0xca: {  	s19 =	simm.s32 $0xF080  }
0xcb: {  	[tilespmem:s19], [sflag:$0x1] =	stream.indirect_vreg.gather [hbm4b:s5+s2], $0x80, v3, vm0, $0xb8;
	[tilespmem:$0x10080] =	vst v63  }
0xcc: {  	s19 =	simm.s32 $0xF880  }
0xcd: {  	[tilespmem:s19], [sflag:$0x1] =	stream.indirect_vreg.gather [hbm4b:s6+s2], $0x80, v3, vm0, $0xb8;
	[tilespmem:$0x10080] =	vst v63  }
0xce: {  	_ =	swait.ge [sflag:s18], $0x10000  }
0xcf: {  	p0 =	sne.s32 s7, $0x1;
	[sflag:s18] =	ssyncset.done $0x0  }
.Ltmp0:
0xd0: {  	s1 =	rddreg [dreg:$0x6];
	[sflag:s18] =	ssyncadd.s32 $0xFFFF0000;
	(pc) =	sbr.rel @p0 .LBB2_1-.Ltmp0, $4  }
0xd1: {  	[hbm4b:s1+s2] =	stream.linear.scatter [tilespmem:s0], [sflag:$0x2], $0x10000, $0x38;
	[tilespmem:$0x10080] =	vst v63  }
0xd2: {  	_ =	swait.ge [sflag:s8], $0x10000  }
0xd3: {  	[sflag:s8] =	ssyncset.done $0x0  }
0xd4: {  	s7 =	sadd.s32 $0xFFFFFFFF, s7;
	[sflag:s8] =	ssyncadd.s32 $0xFFFF0000  }
0xd5: {  	_ =	sfence.sel $0x180000  }
0xd6: {  	[bflag:$0x0] =	sbarrier.arrive $0xFFFF  }
0xd7: {  	_ =	strace $0x9000004A  }
0xd8: {  	s0 =	stileid.u32;
	[bflag:$0x2] =	sbarrier.arrive $0xFFFF  }
0xd9: {  	p0 =	sne.s32 s0, $0x0;
	s0 =	rddreg [dreg:$0x2]  }
0xda: {  	s0 =	sadd.s32 @!p0 $0x100000, s0  }
0xdb: {  	[sflag:s0] =	ssyncadd.tile.s32 @!p0 $0x1;
	_ =	shalt  }
.Lfunc_end2:
_tile_overlayer_lowered:
.L_overlay_start_2:
0xdc: {  	(tag) =	ssettag $0x2  }
0xdd: {  	s0 =	rddreg [dreg:$0x0];
	s2 =	stileid.u32  }
0xde: {  	s1 =	rddreg [dreg:$0x1];
	p0 =	sne.s32 s2, $0x0  }
0xdf: {  	s3 =	rddreg [dreg:$0x2];
	[bflag:$0x3] =	sbarrier.arrive $0xFFFF;
	s2 =	simm.s32 @!p0 $0x1C02  }
0xe0: {  	[timem:s3], [sflag:s2] =	dma.local @!p0 [hbm:s0], s1  }
0xe1: {  	s0 =	simm.s32 @!p0 $0x2  }
0xe2: {  	_ =	swait.ge @!p0 [sflag:s0], s1  }
0xe3: {  	s1 =	ssub.s32 @!p0 $0x0, s1;
	[sflag:s0] =	ssyncset.done @!p0 $0x0  }
0xe4: {  	[sflag:s0] =	ssyncadd.s32 @!p0 s1  }
0xe5: {  	[bflag:$0x3] =	sbarrier.arrive $0xFFFF  }
0xe6: {  	_ =	shalt  }

// kernel: kernel.7.cloned.1.call-start
scs
__scs_entry_jumppad:
0x0: {  	(pc) =	sbr.rel $0x88, $3  }
0x1: {  	(tag) =	ssettag $0x0;
	lr =	simm.s32 $0x1  }
0x2: {  	[smem:$0x3F93] =	sst lr;
	_ =	strace $0xD0000000  }
0x3: {  	_ = 	snop  }
0x4: {  	_ = 	snop  }
0x5: {  	_ = 	snop  }
0x6: {  	_ = 	snop  }
0x7: {  	_ = 	snop  }
__scs_overlays_trampoline_lowered:
0x8: {  	[smem:$0x3FA2] =	sst s0  }
0x9: {  	[smem:$0x3FA3] =	sst s1  }
0xa: {  	[smem:$0x3FA4] =	sst s2  }
0xb: {  	[smem:$0x3FA5] =	sst s3  }
0xc: {  	[smem:$0x3FA6] =	sst s4  }
0xd: {  	[smem:$0x3FA7] =	sst s5  }
0xe: {  	[smem:$0x3FA8] =	sst s6  }
0xf: {  	[smem:$0x3FA9] =	sst s7  }
0x10: {  	[smem:$0x3FAA] =	sst s8  }
0x11: {  	[smem:$0x3FAB] =	sst s9;
	s0 =	simm.s32 @!p0 $0x0  }
0x12: {  	s1 =	sld [smem:$0x3F91];
	s0 =	simm.s32 @p0 $0x1  }
0x13: {  	[smem:$0x3FAC] =	sst s0;
	s0 =	simm.s32 @!p1 $0x0  }
0x14: {  	s2 =	sld [smem:$0x3F90];
	s0 =	simm.s32 @p1 $0x1  }
0x15: {  	[smem:$0x3FAD] =	sst s0;
	s0 =	simm.s32 @!p2 $0x0  }
0x16: {  	s3 =	sld [smem:$0x3FDB];
	s0 =	simm.s32 @p2 $0x1  }
0x17: {  	s4 =	simm.s32 $0x1BF5;
	[smem:$0x3FAF] =	sst s0  }
0x18: {  	s0 =	sld [smem:$0x3F92];
	_ =	swait.ge [sflag:s4], $0x0  }
0x19: {  	s7 =	sld [smem:$0x3F93]  }
0x1a: {  	s8 =	sadd.s32 $0xFFFFE003, lr  }
0x1b: {  	s9 =	sadd.s32 $0xFFFFFEF7, lr;
	s5 =	simm.s32 $0xFFFFFFFF;
	p2 =	slt.u32 s8, $0xFFFFF086  }
0x1c: {  	p1 =	slt.u32 s9, $0xF7A;
	s5 =	simm.s32 @!p2 $0x0  }
0x1d: {  	s5 =	simm.s32 @p1 $0x1;
	p0 =	seq.s32 s7, s2  }
0x1e: {  	s7 =	smul.u32 @!p0 $0xF7A, s2;
	p2 =	seq.s32 @!p0 s5, $0x0  }
0x1f: {  	s9 =	smul.u32 $0xF7A, s1;
	s8 =	simm.s32 @!p0 $0x1BF5;
	p2 =	por !p2, p0  }
0x20: {  	[sflag:s8] =	ssyncset.s32 @!p0 $0xFFFFF086;
	s6 =	sadd.s32 @!p0 s3, s7;
	s7 =	simm.s32 @!p0 $0x108  }
0x21: {  	s3 =	sadd.s32 s3, s9;
	s6 =	sadd.s32 @!p0 $0x88, s6;
	s7 =	simm.s32 @p2 $0x1082  }
0x22: {  	[simem:s7], [sflag:s8] =	dma.local @!p0 [hbm:s6], $0xF7A  }
0x23: {  	s9 =	sor.u32 $0xD0000000, s2;
	s6 =	simm.s32 $0x108;
	_ =	swait.ge @!p0 [sflag:s8], $0x0  }
0x24: {  	s3 =	sadd.s32 $0x88, s3;
	s6 =	simm.s32 @!p1 $0x1082;
	[sflag:s4] =	ssyncset.s32 $0xFFFFF086  }
0x25: {  	[simem:s6], [sflag:s4] =	dma.local [hbm:s3], $0xF7A  }
0x26: {  	[smem:$0x3F93] =	sst s1;
	(tag) =	ssettag s2;
	_ =	strace s9  }
0x27: {  	s1 =	sld [smem:$0x3FA3]  }
0x28: {  	s2 =	sld [smem:$0x3FA4]  }
0x29: {  	s4 =	sld [smem:$0x3FA6]  }
0x2a: {  	p0 =	seq.s32 s5, $0x0;
	s5 =	sld [smem:$0x3FA7]  }
0x2b: {  	s6 =	sld [smem:$0x3FA8]  }
0x2c: {  	s7 =	sld [smem:$0x3FA9]  }
0x2d: {  	s3 =	simm.s32 $0x108;
	s8 =	sld [smem:$0x3FAA]  }
0x2e: {  	s3 =	simm.s32 @!p0 $0x1082;
	s9 =	sld [smem:$0x3FAB]  }
0x2f: {  	lr =	sadd.s32 s0, s3;
	s0 =	sld [smem:$0x3FA2]  }
0x30: {  	s3 =	sld [smem:$0x3FA5]  }
0x31: {  	[smem:$0x3FAE] =	sst s10  }
0x32: {  	s10 =	sld [smem:$0x3FAC];
	_ =	sdelay $0x3  }
0x33: {  	p0 =	seq.s32 s10, $0x1;
	s10 =	sld [smem:$0x3FAE];
	_ =	sdelay $0x3  }
0x34: {  	[smem:$0x3FAE] =	sst s10  }
0x35: {  	s10 =	sld [smem:$0x3FAD];
	_ =	sdelay $0x3  }
0x36: {  	p1 =	seq.s32 s10, $0x1;
	s10 =	sld [smem:$0x3FAE];
	_ =	sdelay $0x3  }
0x37: {  	[smem:$0x3FAE] =	sst s10  }
0x38: {  	s10 =	sld [smem:$0x3FAF]  }
0x39: {  	_ = 	snop;
	(pc) =	sbr.ind lr, $3  }
0x3a: {  	_ = 	snop  }
0x3b: {  	_ = 	snop  }
0x3c: {  	p2 =	seq.s32 s10, $0x1;
	s10 =	sld [smem:$0x3FAE]  }
0x3d: {  	_ =	shalt  }
0x3e: {  	_ =	shalt  }
0x3f: {  	_ =	shalt  }
0x40: {  	_ =	shalt  }
0x41: {  	_ =	shalt  }
0x42: {  	_ =	shalt  }
0x43: {  	_ =	shalt  }
0x44: {  	_ =	shalt  }
0x45: {  	_ =	shalt  }
0x46: {  	_ =	shalt  }
0x47: {  	_ =	shalt  }
0x48: {  	_ =	shalt  }
0x49: {  	_ =	shalt  }
0x4a: {  	_ =	shalt  }
0x4b: {  	_ =	shalt  }
0x4c: {  	_ =	shalt  }
0x4d: {  	_ =	shalt  }
0x4e: {  	_ =	shalt  }
0x4f: {  	_ =	shalt  }
0x50: {  	_ =	shalt  }
0x51: {  	_ =	shalt  }
0x52: {  	_ =	shalt  }
0x53: {  	_ =	shalt  }
0x54: {  	_ =	shalt  }
0x55: {  	_ =	shalt  }
0x56: {  	_ =	shalt  }
0x57: {  	_ =	shalt  }
0x58: {  	_ =	shalt  }
0x59: {  	_ =	shalt  }
0x5a: {  	_ =	shalt  }
0x5b: {  	_ =	shalt  }
0x5c: {  	_ =	shalt  }
0x5d: {  	_ =	shalt  }
0x5e: {  	_ =	shalt  }
0x5f: {  	_ =	shalt  }
0x60: {  	_ =	shalt  }
0x61: {  	_ =	shalt  }
0x62: {  	_ =	shalt  }
0x63: {  	_ =	shalt  }
0x64: {  	_ =	shalt  }
0x65: {  	_ =	shalt  }
0x66: {  	_ =	shalt  }
0x67: {  	_ =	shalt  }
0x68: {  	_ =	shalt  }
0x69: {  	_ =	shalt  }
0x6a: {  	_ =	shalt  }
0x6b: {  	_ =	shalt  }
0x6c: {  	_ =	shalt  }
0x6d: {  	_ =	shalt  }
0x6e: {  	_ =	shalt  }
0x6f: {  	_ =	shalt  }
0x70: {  	_ =	shalt  }
0x71: {  	_ =	shalt  }
0x72: {  	_ =	shalt  }
0x73: {  	_ =	shalt  }
0x74: {  	_ =	shalt  }
0x75: {  	_ =	shalt  }
0x76: {  	_ =	shalt  }
0x77: {  	_ =	shalt  }
0x78: {  	_ =	shalt  }
0x79: {  	_ =	shalt  }
0x7a: {  	_ =	shalt  }
0x7b: {  	_ =	shalt  }
0x7c: {  	_ =	shalt  }
0x7d: {  	_ =	shalt  }
0x7e: {  	_ =	shalt  }
0x7f: {  	_ =	shalt  }
0x80: {  	_ =	shalt  }
0x81: {  	_ =	shalt  }
0x82: {  	_ =	shalt  }
0x83: {  	_ =	shalt  }
0x84: {  	_ =	shalt  }
0x85: {  	_ =	shalt  }
0x86: {  	_ =	shalt  }
0x87: {  	_ =	shalt  }
.Lfunc_end0:
.L_simem_size_0:
called_computation_lowered:
.L_overlay_start_0:
0x88: {  	s2 =	sld [smem:$0x3FD9]  }
0x89: {  	s3 =	sld [smem:$0x3FFE];
	_ =	sdelay $0x1  }
0x8a: {  	s1 =	srdreg.scid  }
0x8b: {  	s0 =	sand.u32 $0x1, s1  }
0x8c: {  	s14 =	sshll.u32 s0, $0xA;
	s2 =	sadd.s32 s3, s2  }
0x8d: {  	s2 =	sadd.s32 s2, s14  }
0x8e: {  	[smem:$0x3FBA] =	sst s2  }
0x8f: {  	_ = 	snop  }
0x90: {  	s2 =	sld [smem:$0x3FD0];
	_ =	sdelay $0x2  }
0x91: {  	s15 =	simm.s32 $0xA;
	s4 =	simm.s32 $0x10  }
0x92: {  	[smem:s4], [sflag:s15] =	dma.local [hbm:s2], $0x1  }
0x93: {  	_ =	swait.eq [sflag:s15], $0x1  }
0x94: {  	[sflag:s15] =	ssyncset.done $0x0  }
0x95: {  	[sflag:s15] =	ssyncadd.s32 $0xFFFFFFFF  }
0x96: {  	s16 =	sld [smem:$0x10];
	(tm) =	ssettm $0x1  }
0x97: {  	s17 =	sld [smem:$0x3FFB];
	_ =	sdelay $0x3  }
0x98: {  	_ =	strace s17  }
0x99: {  	s3 =	sld [smem:$0x3FFC];
	_ =	sdelay $0x3  }
0x9a: {  	_ =	strace s3  }
0x9b: {  	s3 =	sld [smem:$0x3FFD];
	_ =	sdelay $0x3  }
0x9c: {  	_ =	strace s3  }
0x9d: {  	_ =	strace $0x8FFFFFFF  }
0x9e: {  	s18 =	sld [smem:$0x3FDB];
	_ =	sdelay $0x1  }
0x9f: {  	s19 =	simm.s32 $_scs_section_size  }
0xa0: {  	s5 =	simm.s32 $_size__tile_overlayer_lowered;
	s6 =	simm.s32 $_tile_overlayer_lowered  }
0xa1: {  	s22 =	simm.s32 $0x1BFF;
	s21 =	sshll.u32 s6, $0x1;
	s3 =	sadd.s32 s19, s18  }
0xa2: {  	s7 =	simm.s32 $0x0;
	s20 =	sshll.u32 s5, $0x1;
	s5 =	sadd.s32 s21, s3  }
0xa3: {  	[timem:s7], [sflag:s22] =	dma.local [hbm:s5], s20  }
0xa4: {  	_ =	swait.ge [sflag:s22], s20  }
0xa5: {  	s4 =	ssub.s32 $0x0, s20;
	[sflag:s22] =	ssyncset.done $0x0  }
0xa6: {  	[sflag:s22] =	ssyncadd.s32 s4;
	_ =	sdelay $0x1  }
0xa7: {  	s23 =	simm.s32 $0x1B8B  }
0xa8: {  	_ =	swait.ge [sflag:s23], $0x1  }
0xa9: {  	[sflag:s23] =	ssyncset.done $0x0  }
0xaa: {  	s25 =	simm.s32 $0x1B8E;
	s24 =	sld [smem:$0x3FFE];
	[sflag:s23] =	ssyncadd.s32 $0xFFFFFFFF  }
0xab: {  	s26 =	simm.s32 $execute0_lowered;
	[smem:$0x3FD2] =	sst s25  }
0xac: {  	s5 =	sshll.u32 s26, $0x1;
	_ =	strace $0x80000046;
	[dreg:$0x1] =	wrdreg $0xFFFFFFFF  }
0xad: {  	s28 =	simm.s32 $_size_execute0_lowered;
	s3 =	sadd.s32 s3, s5;
	[dreg:$0x0] =	wrdreg $0x0  }
0xae: {  	s5 =	sshll.u32 s28, $0x1;
	[dreg:$0x2] =	wrdreg s3  }
0xaf: {  	[dreg:$0x3] =	wrdreg s5  }
0xb0: {  	[dreg:$0x4] =	wrdreg $0xC0  }
0xb1: {  	_ =	task [dreg:s7], $0x5FFFF  }
0xb2: {  	[dreg:$0x1] =	wrdreg $0xFFFFFFFF  }
0xb3: {  	[dreg:$0x0] =	wrdreg $0x60  }
0xb4: {  	[dreg:$0x2] =	wrdreg s16  }
0xb5: {  	[dreg:$0x3] =	wrdreg s24  }
0xb6: {  	[dreg:$0x4] =	wrdreg $0x9  }
0xb7: {  	_ =	task.clear_ibuf [dreg:s7], $0x5FFFF;
	_ =	strace $0x90000046  }
0xb8: {  	s29 =	simm.s32 $0x9;
	_ =	strace $0x80000048  }
0xb9: {  	_ =	swait.ge [sflag:s29], $0x1  }
0xba: {  	[sflag:s29] =	ssyncadd.s32 $0xFFFFFFFF  }
0xbb: {  	_ =	strace $0x90000048  }
0xbc: {  	_ =	sfence  }
0xbd: {  	s30 =	sld [smem:$0x0];
	_ =	sdelay $0x2  }
0xbe: {  	s31 =	sshll.u32 s1, $0xD;
	s1 =	sshrl.u32 s1, $0x2  }
0xbf: {  	s3 =	sand.u32 $0x4000, s31;
	s1 =	sadd.s32 s1, s30  }
0xc0: {  	s0 =	sor.u32 s3, s0;
	s1 =	sshll.u32 s1, $0x11  }
0xc1: {  	s0 =	sor.u32 s1, s0  }
0xc2: {  	s0 =	sadd.s32 $0x8F2B, s0  }
0xc3: {  	[sflag:s0] =	ssyncadd.remote.s32 $0x1  }
0xc4: {  	_ =	sfence.sel $0xFFFF  }
0xc5: {  	[dreg:$0x0] =	wrdreg $0xFFFFFFFF;
	(pc) =	sbr.abs _section_cstart, $3  }
0xc6: {  	[dreg:$0x1] =	wrdreg $0xFFFFFFFF  }
0xc7: {  	_ =	task.clear_ibuf [dreg:s7], $0x2FFFF;
	_ =	strace $0x9FFFFFFF  }
0xc8: {  	(tm) =	ssettm $0x7FFFFFFF  }
0xc9: {  	_ =	shalt  }
tec
execute0_lowered:
.L_overlay_start_1:
0x0: {  	(tag) =	ssettag $0x1  }
0x1: {  	s0 =	rddreg [dreg:$0x0]  }
0x2: {  	s1 =	rddreg [dreg:$0x1];
	s2 =	simm.s32 $0x0  }
0x3: {  	[smem:$0x7FF] =	sst s2;
	s25 =	sadd.s32 $0x600, s1  }
0x4: {  	s10 =	simm.s32 $0x80;
	_ =	strace $0x80000047;
	[dreg:$0x3] =	wrdreg s25  }
0x5: {  	s11 =	simm.s32 $0x18100;
	[dreg:$0x8] =	wrdreg s10  }
0x6: {  	s12 =	simm.s32 $0x10900;
	[dreg:$0x9] =	wrdreg s11  }
0x7: {  	s13 =	simm.s32 $0x11100;
	[dreg:$0xa] =	wrdreg s12  }
0x8: {  	s14 =	simm.s32 $0x11900;
	[dreg:$0xb] =	wrdreg s13  }
0x9: {  	s15 =	simm.s32 $0x12100;
	[dreg:$0xc] =	wrdreg s14  }
0xa: {  	s3 =	srdreg.scid;
	s16 =	simm.s32 $0x12900;
	[dreg:$0xd] =	wrdreg s15  }
0xb: {  	s5 =	stileid.u32;
	s17 =	simm.s32 $0x13100;
	[dreg:$0xe] =	wrdreg s16  }
0xc: {  	s18 =	simm.s32 $0x13900;
	s19 =	simm.s32 $0x14100;
	[dreg:$0xf] =	wrdreg s17  }
0xd: {  	s20 =	simm.s32 $0x14900;
	s21 =	simm.s32 $0x15100;
	[dreg:$0x10] =	wrdreg s18  }
0xe: {  	s22 =	simm.s32 $0x15900;
	s23 =	simm.s32 $0x16100;
	[dreg:$0x11] =	wrdreg s19  }
0xf: {  	s28 =	simm.s32 $0x3900;
	s29 =	simm.s32 $0x4100;
	[dreg:$0x12] =	wrdreg s20  }
0x10: {  	s30 =	simm.s32 $0x4900;
	s31 =	simm.s32 $0x5100;
	[dreg:$0x13] =	wrdreg s21  }
0x11: {  	s4 =	sand.u32 $0x1, s3;
	s24 =	sshll.u32 s5, $0x1;
	[dreg:$0x14] =	wrdreg s22  }
0x12: {  	s5 =	sor.u32 s4, s24;
	s4 =	ssub.s32 $0x2, s4;
	[dreg:$0x15] =	wrdreg s23  }
0x13: {  	s24 =	simm.s32 $0x16900;
	s25 =	simm.s32 $0x17100;
	s19 =	simm.s32 $0x1  }
0x14: {  	s22 =	simm.s32 $0x1100;
	s23 =	simm.s32 $0x1900;
	s10 =	simm.s32 $0x6900  }
0x15: {  	s11 =	simm.s32 $0x7100;
	s12 =	simm.s32 $0x7900;
	s13 =	simm.s32 $0x8100  }
0x16: {  	s14 =	simm.s32 $0x8900;
	s15 =	simm.s32 $0x9100;
	s16 =	simm.s32 $0x9900  }
0x17: {  	s17 =	simm.s32 $0xA100;
	s18 =	simm.s32 $0xA900;
	s3 =	sshll.u32 s5, $0x3  }
0x18: {  	s7 =	sshll.u32 s5, $0xD;
	s5 =	sshll.u32 s5, $0x2;
	[dreg:$0x16] =	wrdreg s24  }
0x19: {  	[dreg:$0x17] =	wrdreg s25;
	s24 =	simm.s32 $0x2100;
	s25 =	simm.s32 $0x2900  }
0x1a: {  	s6 =	sadd.s32 s3, s1;
	s3 =	sadd.s32 $0x1600, s1;
	s0 =	sadd.s32 s0, s7  }
0x1b: {  	s7 =	sshrl.u32 s4, $0x1;
	s8 =	sadd.s32 s1, s5;
	[dreg:$0x4] =	wrdreg s0  }
0x1c: {  	s5 =	sadd.s32 $0x1800, s1;
	s26 =	sadd.s32 $0x200, s6;
	[dreg:$0x7] =	wrdreg s8  }
0x1d: {  	s6 =	sadd.s32 $0x400, s6;
	s9 =	ssub.s32 s4, s7;
	[dreg:$0x5] =	wrdreg s26  }
0x1e: {  	v2 =	vlaneseq.u32;
	s4 =	sadd.s32 $0x1700, s1;
	s8 =	simm.s32 $0xB100;
	[dreg:$0x6] =	wrdreg s6  }
0x1f: {  	vm0 =	vmmov $0xffff;
	v1 =	vshrl.u32 v2, $0x3;
	s6 =	sadd.s32 $0x1900, s1;
	s7 =	smax.u32 s9, $0x1;
	s26 =	simm.s32 $0x17900  }
0x20: {  	v0 =	vand.u32 $0x7, v2;
	v2 =	vor.u32 $0x8, v2;
	v1 =	vmul.u32 $0x8, v1;
	s9 =	simm.s32 $0x2;
	[dreg:$0x18] =	wrdreg s26;
	s26 =	simm.s32 $0x3100  }
.LBB2_1:
0x21: {  	s20 =	rddreg [dreg:$0x4];
	s0 =	simm.s32 $0x100  }
0x22: {  	[tilespmem:s0], [sflag:$0x2] =	stream.linear.gather [hbm4b:s20+s2], $0x10000, $0x38;
	[tilespmem:$0x18180] =	vst v63  }
0x23: {  	_ =	swait.ge [sflag:s9], $0x10000  }
0x24: {  	[sflag:s9] =	ssyncset.done $0x0  }
0x25: {  	s21 =	rddreg [dreg:$0x5];
	[sflag:s9] =	ssyncadd.s32 $0xFFFF0000  }
0x26: {  	[tilespmem:s2], [sflag:$0x2] =	stream.linear.gather [hbm4b:s21+s2], $0x40, $0x38;
	[tilespmem:$0x18180] =	vst v63  }
0x27: {  	_ =	swait.ge [sflag:s9], $0x40  }
0x28: {  	s0 =	rddreg [dreg:$0x6];
	[sflag:s9] =	ssyncset.done $0x0  }
0x29: {  	s21 =	rddreg [dreg:$0x8];
	[sflag:s9] =	ssyncadd.s32 $0xFFFFFFC0  }
0x2a: {  	[tilespmem:s21], [sflag:$0x2] =	stream.linear.gather [hbm4b:s0+s2], $0x40, $0x38;
	[tilespmem:$0x18180] =	vst v63  }
0x2b: {  	_ =	swait.ge [sflag:s9], $0x40  }
0x2c: {  	s21 =	rddreg [dreg:$0x7];
	[sflag:s9] =	ssyncset.done $0x0  }
0x2d: {  	s0 =	rddreg [dreg:$0x9];
	[sflag:s9] =	ssyncadd.s32 $0xFFFFFFC0  }
0x2e: {  	[tilespmem:s0], [sflag:$0x2] =	stream.linear.gather [hbm4b:s21+s2], $0x20, $0x38;
	[tilespmem:$0x18180] =	vst v63  }
0x2f: {  	_ =	swait.ge [sflag:s9], $0x20  }
0x30: {  	[sflag:s9] =	ssyncset.done $0x0  }
0x31: {  	s21 =	simm.s32 $0x10100;
	s0 =	rddreg [dreg:$0x3];
	[sflag:s9] =	ssyncadd.s32 $0xFFFFFFE0  }
0x32: {  	[tilespmem:s21], [sflag:$0x2] =	stream.linear.gather [hbm4b:s0+s2], $0x8000, $0x38;
	[tilespmem:$0x18180] =	vst v63  }
0x33: {  	_ =	swait.ge [sflag:s9], $0x8000  }
0x34: {  	[sflag:s9] =	ssyncset.done $0x0  }
0x35: {  	[sflag:s9] =	ssyncadd.s32 $0xFFFF8000  }
0x36: {  	v3 =	vld [tilespmem:$0x0];
	_ =	sdelay $0x4  }
0x37: {  	v4 =	vshll.u32 v3, $0x3  }
0x38: {  	v3 =	vand.u32 $0x7, v3;
	v4 =	vand.u32 $0xFFFFFFC0, v4  }
0x39: {  	v3 =	vor.u32 v3, v4  }
0x3a: {  	v4 =	vperm.xlane v3, v0;
	_ =	sdelay $0x1  }
0x3b: {  	v4 =	vadd.s32 v1, v4;
	_ =	sdelay $0x3  }
0x3c: {  	s1 =	simm.s32 $0x100  }
0x3d: {  	[hbm4b:s3+s2] =	stream.indirect_vreg.scatter [tilespmem:s1], [sflag:$0x1], $0x80, v4, vm0, $0xb8;
	[tilespmem:$0x18180] =	vst v63  }
0x3e: {  	s20 =	simm.s32 $0x900;
	v3 =	vperm.xlane v3, v2  }
0x3f: {  	[hbm4b:s4+s2] =	stream.indirect_vreg.scatter [tilespmem:s20], [sflag:$0x1], $0x80, v4, vm0, $0xb8;
	[tilespmem:$0x18180] =	vst v63  }
0x40: {  	v3 =	vadd.s32 v1, v3  }
0x41: {  	[hbm4b:s5+s2] =	stream.indirect_vreg.scatter [tilespmem:s22], [sflag:$0x1], $0x80, v4, vm0, $0xb8;
	[tilespmem:$0x18180] =	vst v63  }
0x42: {  	_ = 	snop  }
0x43: {  	[hbm4b:s6+s2] =	stream.indirect_vreg.scatter [tilespmem:s23], [sflag:$0x1], $0x80, v4, vm0, $0xb8;
	[tilespmem:$0x18180] =	vst v63  }
0x44: {  	_ = 	snop  }
0x45: {  	[hbm4b:s3+s2] =	stream.indirect_vreg.scatter [tilespmem:s24], [sflag:$0x1], $0x80, v3, vm0, $0xb8;
	[tilespmem:$0x18180] =	vst v63  }
0x46: {  	_ = 	snop  }
0x47: {  	[hbm4b:s4+s2] =	stream.indirect_vreg.scatter [tilespmem:s25], [sflag:$0x1], $0x80, v3, vm0, $0xb8;
	[tilespmem:$0x18180] =	vst v63  }
0x48: {  	_ = 	snop  }
0x49: {  	[hbm4b:s5+s2] =	stream.indirect_vreg.scatter [tilespmem:s26], [sflag:$0x1], $0x80, v3, vm0, $0xb8;
	[tilespmem:$0x18180] =	vst v63  }
0x4a: {  	_ = 	snop  }
0x4b: {  	[hbm4b:s6+s2] =	stream.indirect_vreg.scatter [tilespmem:s28], [sflag:$0x1], $0x80, v3, vm0, $0xb8;
	[tilespmem:$0x18180] =	vst v63  }
0x4c: {  	v3 =	vld [tilespmem:$0x10];
	_ =	sdelay $0x4  }
0x4d: {  	v55 =	vshll.u32 v3, $0x3  }
0x4e: {  	v3 =	vand.u32 $0x7, v3;
	v4 =	vand.u32 $0xFFFFFFC0, v55  }
0x4f: {  	v3 =	vor.u32 v3, v4  }
0x50: {  	v4 =	vperm.xlane v3, v0;
	_ =	sdelay $0x1  }
0x51: {  	v4 =	vadd.s32 v1, v4;
	_ =	sdelay $0x4  }
0x52: {  	[hbm4b:s3+s2] =	stream.indirect_vreg.scatter [tilespmem:s29], [sflag:$0x1], $0x80, v4, vm0, $0xb8;
	[tilespmem:$0x18180] =	vst v63  }
0x53: {  	v3 =	vperm.xlane v3, v2  }
0x54: {  	[hbm4b:s4+s2] =	stream.indirect_vreg.scatter [tilespmem:s30], [sflag:$0x1], $0x80, v4, vm0, $0xb8;
	[tilespmem:$0x18180] =	vst v63  }
0x55: {  	v3 =	vadd.s32 v1, v3  }
0x56: {  	[hbm4b:s5+s2] =	stream.indirect_vreg.scatter [tilespmem:s31], [sflag:$0x1], $0x80, v4, vm0, $0xb8;
	[tilespmem:$0x18180] =	vst v63  }
0x57: {  	s21 =	simm.s32 $0x5900  }
0x58: {  	[hbm4b:s6+s2] =	stream.indirect_vreg.scatter [tilespmem:s21], [sflag:$0x1], $0x80, v4, vm0, $0xb8;
	[tilespmem:$0x18180] =	vst v63  }
0x59: {  	s1 =	simm.s32 $0x6100  }
0x5a: {  	[hbm4b:s3+s2] =	stream.indirect_vreg.scatter [tilespmem:s1], [sflag:$0x1], $0x80, v3, vm0, $0xb8;
	[tilespmem:$0x18180] =	vst v63  }
0x5b: {  	_ = 	snop  }
0x5c: {  	[hbm4b:s4+s2] =	stream.indirect_vreg.scatter [tilespmem:s10], [sflag:$0x1], $0x80, v3, vm0, $0xb8;
	[tilespmem:$0x18180] =	vst v63  }
0x5d: {  	_ = 	snop  }
0x5e: {  	[hbm4b:s5+s2] =	stream.indirect_vreg.scatter [tilespmem:s11], [sflag:$0x1], $0x80, v3, vm0, $0xb8;
	[tilespmem:$0x18180] =	vst v63  }
0x5f: {  	_ = 	snop  }
0x60: {  	[hbm4b:s6+s2] =	stream.indirect_vreg.scatter [tilespmem:s12], [sflag:$0x1], $0x80, v3, vm0, $0xb8;
	[tilespmem:$0x18180] =	vst v63  }
0x61: {  	v3 =	vld [tilespmem:$0x20];
	_ =	sdelay $0x4  }
0x62: {  	v56 =	vshll.u32 v3, $0x3  }
0x63: {  	v3 =	vand.u32 $0x7, v3;
	v4 =	vand.u32 $0xFFFFFFC0, v56  }
0x64: {  	v3 =	vor.u32 v3, v4  }
0x65: {  	v4 =	vperm.xlane v3, v0;
	_ =	sdelay $0x1  }
0x66: {  	v4 =	vadd.s32 v1, v4;
	_ =	sdelay $0x4  }
0x67: {  	[hbm4b:s3+s2] =	stream.indirect_vreg.scatter [tilespmem:s13], [sflag:$0x1], $0x80, v4, vm0, $0xb8;
	[tilespmem:$0x18180] =	vst v63  }
0x68: {  	v3 =	vperm.xlane v3, v2  }
0x69: {  	[hbm4b:s4+s2] =	stream.indirect_vreg.scatter [tilespmem:s14], [sflag:$0x1], $0x80, v4, vm0, $0xb8;
	[tilespmem:$0x18180] =	vst v63  }
0x6a: {  	v3 =	vadd.s32 v1, v3  }
0x6b: {  	[hbm4b:s5+s2] =	stream.indirect_vreg.scatter [tilespmem:s15], [sflag:$0x1], $0x80, v4, vm0, $0xb8;
	[tilespmem:$0x18180] =	vst v63  }
0x6c: {  	_ = 	snop  }
0x6d: {  	[hbm4b:s6+s2] =	stream.indirect_vreg.scatter [tilespmem:s16], [sflag:$0x1], $0x80, v4, vm0, $0xb8;
	[tilespmem:$0x18180] =	vst v63  }
0x6e: {  	_ = 	snop  }
0x6f: {  	[hbm4b:s3+s2] =	stream.indirect_vreg.scatter [tilespmem:s17], [sflag:$0x1], $0x80, v3, vm0, $0xb8;
	[tilespmem:$0x18180] =	vst v63  }
0x70: {  	_ = 	snop  }
0x71: {  	[hbm4b:s4+s2] =	stream.indirect_vreg.scatter [tilespmem:s18], [sflag:$0x1], $0x80, v3, vm0, $0xb8;
	[tilespmem:$0x18180] =	vst v63  }
0x72: {  	_ = 	snop  }
0x73: {  	[hbm4b:s5+s2] =	stream.indirect_vreg.scatter [tilespmem:s8], [sflag:$0x1], $0x80, v3, vm0, $0xb8;
	[tilespmem:$0x18180] =	vst v63  }
0x74: {  	s21 =	simm.s32 $0xB900  }
0x75: {  	[hbm4b:s6+s2] =	stream.indirect_vreg.scatter [tilespmem:s21], [sflag:$0x1], $0x80, v3, vm0, $0xb8;
	[tilespmem:$0x18180] =	vst v63  }
0x76: {  	v3 =	vld [tilespmem:$0x30];
	_ =	sdelay $0x4  }
0x77: {  	v57 =	vshll.u32 v3, $0x3  }
0x78: {  	v3 =	vand.u32 $0x7, v3;
	v4 =	vand.u32 $0xFFFFFFC0, v57  }
0x79: {  	v3 =	vor.u32 v3, v4  }
0x7a: {  	v4 =	vperm.xlane v3, v0;
	_ =	sdelay $0x1  }
0x7b: {  	v4 =	vadd.s32 v1, v4;
	_ =	sdelay $0x3  }
0x7c: {  	s0 =	simm.s32 $0xC100  }
0x7d: {  	[hbm4b:s3+s2] =	stream.indirect_vreg.scatter [tilespmem:s0], [sflag:$0x1], $0x80, v4, vm0, $0xb8;
	[tilespmem:$0x18180] =	vst v63  }
0x7e: {  	v3 =	vperm.xlane v3, v2;
	s0 =	simm.s32 $0xC900  }
0x7f: {  	[hbm4b:s4+s2] =	stream.indirect_vreg.scatter [tilespmem:s0], [sflag:$0x1], $0x80, v4, vm0, $0xb8;
	[tilespmem:$0x18180] =	vst v63  }
0x80: {  	v3 =	vadd.s32 v1, v3;
	s0 =	simm.s32 $0xD100  }
0x81: {  	[hbm4b:s5+s2] =	stream.indirect_vreg.scatter [tilespmem:s0], [sflag:$0x1], $0x80, v4, vm0, $0xb8;
	[tilespmem:$0x18180] =	vst v63  }
0x82: {  	s0 =	simm.s32 $0xD900  }
0x83: {  	[hbm4b:s6+s2] =	stream.indirect_vreg.scatter [tilespmem:s0], [sflag:$0x1], $0x80, v4, vm0, $0xb8;
	[tilespmem:$0x18180] =	vst v63  }
0x84: {  	s0 =	simm.s32 $0xE100  }
0x85: {  	[hbm4b:s3+s2] =	stream.indirect_vreg.scatter [tilespmem:s0], [sflag:$0x1], $0x80, v3, vm0, $0xb8;
	[tilespmem:$0x18180] =	vst v63  }
0x86: {  	s0 =	simm.s32 $0xE900  }
0x87: {  	[hbm4b:s4+s2] =	stream.indirect_vreg.scatter [tilespmem:s0], [sflag:$0x1], $0x80, v3, vm0, $0xb8;
	[tilespmem:$0x18180] =	vst v63  }
0x88: {  	s0 =	simm.s32 $0xF100  }
0x89: {  	[hbm4b:s5+s2] =	stream.indirect_vreg.scatter [tilespmem:s0], [sflag:$0x1], $0x80, v3, vm0, $0xb8;
	[tilespmem:$0x18180] =	vst v63  }
0x8a: {  	s0 =	simm.s32 $0xF900  }
0x8b: {  	[hbm4b:s6+s2] =	stream.indirect_vreg.scatter [tilespmem:s0], [sflag:$0x1], $0x80, v3, vm0, $0xb8;
	[tilespmem:$0x18180] =	vst v63  }
0x8c: {  	v3 =	vld [tilespmem:$0x80];
	_ =	sdelay $0x4  }
0x8d: {  	v58 =	vshll.u32 v3, $0x3  }
0x8e: {  	v3 =	vand.u32 $0x7, v3;
	v4 =	vand.u32 $0xFFFFFFC0, v58  }
0x8f: {  	v3 =	vor.u32 v3, v4  }
0x90: {  	v4 =	vperm.xlane v3, v0;
	_ =	sdelay $0x1  }
0x91: {  	v4 =	vadd.s32 v1, v4;
	_ =	sdelay $0x3  }
0x92: {  	s0 =	simm.s32 $0x100  }
0x93: {  	[hbm4b:s3+s2] =	stream.indirect_vreg.scatter [tilespmem:s0], [sflag:$0x1], $0x80, v4, vm0, $0xb8;
	[tilespmem:$0x18180] =	vst v63  }
0x94: {  	v3 =	vperm.xlane v3, v2  }
0x95: {  	[hbm4b:s4+s2] =	stream.indirect_vreg.scatter [tilespmem:s20], [sflag:$0x1], $0x80, v4, vm0, $0xb8;
	[tilespmem:$0x18180] =	vst v63  }
0x96: {  	v3 =	vadd.s32 v1, v3  }
0x97: {  	[hbm4b:s5+s2] =	stream.indirect_vreg.scatter [tilespmem:s22], [sflag:$0x1], $0x80, v4, vm0, $0xb8;
	[tilespmem:$0x18180] =	vst v63  }
0x98: {  	_ = 	snop  }
0x99: {  	[hbm4b:s6+s2] =	stream.indirect_vreg.scatter [tilespmem:s23], [sflag:$0x1], $0x80, v4, vm0, $0xb8;
	[tilespmem:$0x18180] =	vst v63  }
0x9a: {  	_ = 	snop  }
0x9b: {  	[hbm4b:s3+s2] =	stream.indirect_vreg.scatter [tilespmem:s24], [sflag:$0x1], $0x80, v3, vm0, $0xb8;
	[tilespmem:$0x18180] =	vst v63  }
0x9c: {  	_ = 	snop  }
0x9d: {  	[hbm4b:s4+s2] =	stream.indirect_vreg.scatter [tilespmem:s25], [sflag:$0x1], $0x80, v3, vm0, $0xb8;
	[tilespmem:$0x18180] =	vst v63  }
0x9e: {  	_ = 	snop  }
0x9f: {  	[hbm4b:s5+s2] =	stream.indirect_vreg.scatter [tilespmem:s26], [sflag:$0x1], $0x80, v3, vm0, $0xb8;
	[tilespmem:$0x18180] =	vst v63  }
0xa0: {  	_ = 	snop  }
0xa1: {  	[hbm4b:s6+s2] =	stream.indirect_vreg.scatter [tilespmem:s28], [sflag:$0x1], $0x80, v3, vm0, $0xb8;
	[tilespmem:$0x18180] =	vst v63  }
0xa2: {  	v3 =	vld [tilespmem:$0x90];
	_ =	sdelay $0x4  }
0xa3: {  	v59 =	vshll.u32 v3, $0x3  }
0xa4: {  	v3 =	vand.u32 $0x7, v3;
	v4 =	vand.u32 $0xFFFFFFC0, v59  }
0xa5: {  	v3 =	vor.u32 v3, v4  }
0xa6: {  	v4 =	vperm.xlane v3, v0;
	_ =	sdelay $0x1  }
0xa7: {  	v4 =	vadd.s32 v1, v4;
	_ =	sdelay $0x4  }
0xa8: {  	[hbm4b:s3+s2] =	stream.indirect_vreg.scatter [tilespmem:s29], [sflag:$0x1], $0x80, v4, vm0, $0xb8;
	[tilespmem:$0x18180] =	vst v63  }
0xa9: {  	v3 =	vperm.xlane v3, v2  }
0xaa: {  	[hbm4b:s4+s2] =	stream.indirect_vreg.scatter [tilespmem:s30], [sflag:$0x1], $0x80, v4, vm0, $0xb8;
	[tilespmem:$0x18180] =	vst v63  }
0xab: {  	v3 =	vadd.s32 v1, v3  }
0xac: {  	[hbm4b:s5+s2] =	stream.indirect_vreg.scatter [tilespmem:s31], [sflag:$0x1], $0x80, v4, vm0, $0xb8;
	[tilespmem:$0x18180] =	vst v63  }
0xad: {  	s0 =	simm.s32 $0x5900  }
0xae: {  	[hbm4b:s6+s2] =	stream.indirect_vreg.scatter [tilespmem:s0], [sflag:$0x1], $0x80, v4, vm0, $0xb8;
	[tilespmem:$0x18180] =	vst v63  }
0xaf: {  	_ = 	snop  }
0xb0: {  	[hbm4b:s3+s2] =	stream.indirect_vreg.scatter [tilespmem:s1], [sflag:$0x1], $0x80, v3, vm0, $0xb8;
	[tilespmem:$0x18180] =	vst v63  }
0xb1: {  	_ = 	snop  }
0xb2: {  	[hbm4b:s4+s2] =	stream.indirect_vreg.scatter [tilespmem:s10], [sflag:$0x1], $0x80, v3, vm0, $0xb8;
	[tilespmem:$0x18180] =	vst v63  }
0xb3: {  	_ = 	snop  }
0xb4: {  	[hbm4b:s5+s2] =	stream.indirect_vreg.scatter [tilespmem:s11], [sflag:$0x1], $0x80, v3, vm0, $0xb8;
	[tilespmem:$0x18180] =	vst v63  }
0xb5: {  	_ = 	snop  }
0xb6: {  	[hbm4b:s6+s2] =	stream.indirect_vreg.scatter [tilespmem:s12], [sflag:$0x1], $0x80, v3, vm0, $0xb8;
	[tilespmem:$0x18180] =	vst v63  }
0xb7: {  	v3 =	vld [tilespmem:$0xA0];
	_ =	sdelay $0x4  }
0xb8: {  	v60 =	vshll.u32 v3, $0x3  }
0xb9: {  	v3 =	vand.u32 $0x7, v3;
	v4 =	vand.u32 $0xFFFFFFC0, v60  }
0xba: {  	v3 =	vor.u32 v3, v4  }
0xbb: {  	v4 =	vperm.xlane v3, v0;
	_ =	sdelay $0x1  }
0xbc: {  	v4 =	vadd.s32 v1, v4;
	_ =	sdelay $0x4  }
0xbd: {  	[hbm4b:s3+s2] =	stream.indirect_vreg.scatter [tilespmem:s13], [sflag:$0x1], $0x80, v4, vm0, $0xb8;
	[tilespmem:$0x18180] =	vst v63  }
0xbe: {  	v3 =	vperm.xlane v3, v2  }
0xbf: {  	[hbm4b:s4+s2] =	stream.indirect_vreg.scatter [tilespmem:s14], [sflag:$0x1], $0x80, v4, vm0, $0xb8;
	[tilespmem:$0x18180] =	vst v63  }
0xc0: {  	v3 =	vadd.s32 v1, v3  }
0xc1: {  	[hbm4b:s5+s2] =	stream.indirect_vreg.scatter [tilespmem:s15], [sflag:$0x1], $0x80, v4, vm0, $0xb8;
	[tilespmem:$0x18180] =	vst v63  }
0xc2: {  	_ = 	snop  }
0xc3: {  	[hbm4b:s6+s2] =	stream.indirect_vreg.scatter [tilespmem:s16], [sflag:$0x1], $0x80, v4, vm0, $0xb8;
	[tilespmem:$0x18180] =	vst v63  }
0xc4: {  	_ = 	snop  }
0xc5: {  	[hbm4b:s3+s2] =	stream.indirect_vreg.scatter [tilespmem:s17], [sflag:$0x1], $0x80, v3, vm0, $0xb8;
	[tilespmem:$0x18180] =	vst v63  }
0xc6: {  	_ = 	snop  }
0xc7: {  	[hbm4b:s4+s2] =	stream.indirect_vreg.scatter [tilespmem:s18], [sflag:$0x1], $0x80, v3, vm0, $0xb8;
	[tilespmem:$0x18180] =	vst v63  }
0xc8: {  	_ = 	snop  }
0xc9: {  	[hbm4b:s5+s2] =	stream.indirect_vreg.scatter [tilespmem:s8], [sflag:$0x1], $0x80, v3, vm0, $0xb8;
	[tilespmem:$0x18180] =	vst v63  }
0xca: {  	_ = 	snop  }
0xcb: {  	[hbm4b:s6+s2] =	stream.indirect_vreg.scatter [tilespmem:s21], [sflag:$0x1], $0x80, v3, vm0, $0xb8;
	[tilespmem:$0x18180] =	vst v63  }
0xcc: {  	v3 =	vld [tilespmem:$0xB0];
	_ =	sdelay $0x4  }
0xcd: {  	v61 =	vshll.u32 v3, $0x3  }
0xce: {  	v3 =	vand.u32 $0x7, v3;
	v4 =	vand.u32 $0xFFFFFFC0, v61  }
0xcf: {  	v3 =	vor.u32 v3, v4  }
0xd0: {  	v4 =	vperm.xlane v3, v0;
	_ =	sdelay $0x1  }
0xd1: {  	v4 =	vadd.s32 v1, v4;
	_ =	sdelay $0x3  }
0xd2: {  	s20 =	simm.s32 $0xC100  }
0xd3: {  	[hbm4b:s3+s2] =	stream.indirect_vreg.scatter [tilespmem:s20], [sflag:$0x1], $0x80, v4, vm0, $0xb8;
	[tilespmem:$0x18180] =	vst v63  }
0xd4: {  	s21 =	simm.s32 $0xC900;
	v3 =	vperm.xlane v3, v2  }
0xd5: {  	[hbm4b:s4+s2] =	stream.indirect_vreg.scatter [tilespmem:s21], [sflag:$0x1], $0x80, v4, vm0, $0xb8;
	[tilespmem:$0x18180] =	vst v63  }
0xd6: {  	s0 =	simm.s32 $0xD100;
	v3 =	vadd.s32 v1, v3  }
0xd7: {  	[hbm4b:s5+s2] =	stream.indirect_vreg.scatter [tilespmem:s0], [sflag:$0x1], $0x80, v4, vm0, $0xb8;
	[tilespmem:$0x18180] =	vst v63  }
0xd8: {  	s20 =	simm.s32 $0xD900  }
0xd9: {  	[hbm4b:s6+s2] =	stream.indirect_vreg.scatter [tilespmem:s20], [sflag:$0x1], $0x80, v4, vm0, $0xb8;
	[tilespmem:$0x18180] =	vst v63  }
0xda: {  	s21 =	simm.s32 $0xE100  }
0xdb: {  	[hbm4b:s3+s2] =	stream.indirect_vreg.scatter [tilespmem:s21], [sflag:$0x1], $0x80, v3, vm0, $0xb8;
	[tilespmem:$0x18180] =	vst v63  }
0xdc: {  	s0 =	simm.s32 $0xE900  }
0xdd: {  	[hbm4b:s4+s2] =	stream.indirect_vreg.scatter [tilespmem:s0], [sflag:$0x1], $0x80, v3, vm0, $0xb8;
	[tilespmem:$0x18180] =	vst v63  }
0xde: {  	s20 =	simm.s32 $0xF100  }
0xdf: {  	[hbm4b:s5+s2] =	stream.indirect_vreg.scatter [tilespmem:s20], [sflag:$0x1], $0x80, v3, vm0, $0xb8;
	[tilespmem:$0x18180] =	vst v63  }
0xe0: {  	s21 =	simm.s32 $0xF900  }
0xe1: {  	[hbm4b:s6+s2] =	stream.indirect_vreg.scatter [tilespmem:s21], [sflag:$0x1], $0x80, v3, vm0, $0xb8;
	[tilespmem:$0x18180] =	vst v63  }
0xe2: {  	v3 =	vld [tilespmem:$0x18100];
	_ =	sdelay $0x4  }
0xe3: {  	v62 =	vshll.u32 v3, $0x3  }
0xe4: {  	v3 =	vand.u32 $0x7, v3;
	v4 =	vand.u32 $0xFFFFFFC0, v62  }
0xe5: {  	v3 =	vor.u32 v3, v4  }
0xe6: {  	v4 =	vperm.xlane v3, v0;
	_ =	sdelay $0x1  }
0xe7: {  	v4 =	vadd.s32 v1, v4;
	_ =	sdelay $0x3  }
0xe8: {  	s21 =	simm.s32 $0x10100  }
0xe9: {  	[hbm4b:s3+s2] =	stream.indirect_vreg.scatter [tilespmem:s21], [sflag:$0x1], $0x80, v4, vm0, $0xb8;
	[tilespmem:$0x18180] =	vst v63  }
0xea: {  	s1 =	rddreg [dreg:$0xa];
	v3 =	vperm.xlane v3, v2  }
0xeb: {  	[hbm4b:s4+s2] =	stream.indirect_vreg.scatter [tilespmem:s1], [sflag:$0x1], $0x80, v4, vm0, $0xb8;
	[tilespmem:$0x18180] =	vst v63  }
0xec: {  	s0 =	rddreg [dreg:$0xb];
	v3 =	vadd.s32 v1, v3  }
0xed: {  	[hbm4b:s5+s2] =	stream.indirect_vreg.scatter [tilespmem:s0], [sflag:$0x1], $0x80, v4, vm0, $0xb8;
	[tilespmem:$0x18180] =	vst v63  }
0xee: {  	s1 =	rddreg [dreg:$0xc]  }
0xef: {  	[hbm4b:s6+s2] =	stream.indirect_vreg.scatter [tilespmem:s1], [sflag:$0x1], $0x80, v4, vm0, $0xb8;
	[tilespmem:$0x18180] =	vst v63  }
0xf0: {  	s0 =	rddreg [dreg:$0xd]  }
0xf1: {  	[hbm4b:s3+s2] =	stream.indirect_vreg.scatter [tilespmem:s0], [sflag:$0x1], $0x80, v3, vm0, $0xb8;
	[tilespmem:$0x18180] =	vst v63  }
0xf2: {  	s1 =	rddreg [dreg:$0xe]  }
0xf3: {  	[hbm4b:s4+s2] =	stream.indirect_vreg.scatter [tilespmem:s1], [sflag:$0x1], $0x80, v3, vm0, $0xb8;
	[tilespmem:$0x18180] =	vst v63  }
0xf4: {  	s0 =	rddreg [dreg:$0xf]  }
0xf5: {  	[hbm4b:s5+s2] =	stream.indirect_vreg.scatter [tilespmem:s0], [sflag:$0x1], $0x80, v3, vm0, $0xb8;
	[tilespmem:$0x18180] =	vst v63  }
0xf6: {  	s1 =	rddreg [dreg:$0x10]  }
0xf7: {  	[hbm4b:s6+s2] =	stream.indirect_vreg.scatter [tilespmem:s1], [sflag:$0x1], $0x80, v3, vm0, $0xb8;
	[tilespmem:$0x18180] =	vst v63  }
0xf8: {  	v3 =	vld [tilespmem:$0x18110];
	_ =	sdelay $0x4  }
0xf9: {  	v63 =	vshll.u32 v3, $0x3  }
0xfa: {  	v3 =	vand.u32 $0x7, v3;
	v4 =	vand.u32 $0xFFFFFFC0, v63  }
0xfb: {  	v3 =	vor.u32 v3, v4  }
0xfc: {  	v4 =	vperm.xlane v3, v0;
	_ =	sdelay $0x1  }
0xfd: {  	v4 =	vadd.s32 v1, v4;
	_ =	sdelay $0x3  }
0xfe: {  	s0 =	rddreg [dreg:$0x11]  }
0xff: {  	[hbm4b:s3+s2] =	stream.indirect_vreg.scatter [tilespmem:s0], [sflag:$0x1], $0x80, v4, vm0, $0xb8;
	[tilespmem:$0x18180] =	vst v63  }
0x100: {  	s1 =	rddreg [dreg:$0x12];
	v3 =	vperm.xlane v3, v2  }
0x101: {  	[hbm4b:s4+s2] =	stream.indirect_vreg.scatter [tilespmem:s1], [sflag:$0x1], $0x80, v4, vm0, $0xb8;
	[tilespmem:$0x18180] =	vst v63  }
0x102: {  	v3 =	vadd.s32 v1, v3;
	s0 =	rddreg [dreg:$0x13]  }
0x103: {  	[hbm4b:s5+s2] =	stream.indirect_vreg.scatter [tilespmem:s0], [sflag:$0x1], $0x80, v4, vm0, $0xb8;
	[tilespmem:$0x18180] =	vst v63  }
0x104: {  	s1 =	rddreg [dreg:$0x14]  }
0x105: {  	[hbm4b:s6+s2] =	stream.indirect_vreg.scatter [tilespmem:s1], [sflag:$0x1], $0x80, v4, vm0, $0xb8;
	[tilespmem:$0x18180] =	vst v63  }
0x106: {  	s0 =	rddreg [dreg:$0x15]  }
0x107: {  	[hbm4b:s3+s2] =	stream.indirect_vreg.scatter [tilespmem:s0], [sflag:$0x1], $0x80, v3, vm0, $0xb8;
	[tilespmem:$0x18180] =	vst v63  }
0x108: {  	s1 =	rddreg [dreg:$0x16]  }
0x109: {  	[hbm4b:s4+s2] =	stream.indirect_vreg.scatter [tilespmem:s1], [sflag:$0x1], $0x80, v3, vm0, $0xb8;
	[tilespmem:$0x18180] =	vst v63  }
0x10a: {  	s0 =	rddreg [dreg:$0x17]  }
0x10b: {  	[hbm4b:s5+s2] =	stream.indirect_vreg.scatter [tilespmem:s0], [sflag:$0x1], $0x80, v3, vm0, $0xb8;
	[tilespmem:$0x18180] =	vst v63  }
0x10c: {  	s1 =	rddreg [dreg:$0x18]  }
0x10d: {  	[hbm4b:s6+s2] =	stream.indirect_vreg.scatter [tilespmem:s1], [sflag:$0x1], $0x80, v3, vm0, $0xb8;
	[tilespmem:$0x18180] =	vst v63  }
0x10e: {  	_ =	swait.ge [sflag:s19], $0x10000  }
0x10f: {  	[sflag:s19] =	ssyncset.done $0x0  }
0x110: {  	[sflag:s19] =	ssyncadd.s32 $0xFFFF0000  }
0x111: {  	p0 =	sne.s32 s7, $0x1;
	_ =	swait.ge [sflag:s19], $0x10000  }
.Ltmp0:
0x112: {  	[sflag:s19] =	ssyncset.done $0x0;
	(pc) =	sbr.rel @p0 .LBB2_1-.Ltmp0, $4  }
0x113: {  	[sflag:s19] =	ssyncadd.s32 $0xFFFF0000  }
0x114: {  	_ =	swait.ge [sflag:s19], $0x8000  }
0x115: {  	[sflag:s19] =	ssyncset.done $0x0  }
0x116: {  	s7 =	sadd.s32 $0xFFFFFFFF, s7;
	[sflag:s19] =	ssyncadd.s32 $0xFFFF8000  }
0x117: {  	_ =	sfence.sel $0x180000  }
0x118: {  	[bflag:$0x0] =	sbarrier.arrive $0xFFFF  }
0x119: {  	_ =	strace $0x90000047  }
0x11a: {  	s0 =	stileid.u32;
	[bflag:$0x2] =	sbarrier.arrive $0xFFFF  }
0x11b: {  	p0 =	sne.s32 s0, $0x0;
	s0 =	rddreg [dreg:$0x2]  }
0x11c: {  	s0 =	sadd.s32 @!p0 $0x100000, s0  }
0x11d: {  	[sflag:s0] =	ssyncadd.tile.s32 @!p0 $0x1;
	_ =	shalt  }
.Lfunc_end2:
_tile_overlayer_lowered:
.L_overlay_start_2:
0x11e: {  	(tag) =	ssettag $0x2  }
0x11f: {  	s0 =	rddreg [dreg:$0x0];
	s2 =	stileid.u32  }
0x120: {  	s1 =	rddreg [dreg:$0x1];
	p0 =	sne.s32 s2, $0x0  }
0x121: {  	s3 =	rddreg [dreg:$0x2];
	[bflag:$0x3] =	sbarrier.arrive $0xFFFF;
	s2 =	simm.s32 @!p0 $0x1C02  }
0x122: {  	[timem:s3], [sflag:s2] =	dma.local @!p0 [hbm:s0], s1  }
0x123: {  	s0 =	simm.s32 @!p0 $0x2  }
0x124: {  	_ =	swait.ge @!p0 [sflag:s0], s1  }
0x125: {  	s1 =	ssub.s32 @!p0 $0x0, s1;
	[sflag:s0] =	ssyncset.done @!p0 $0x0  }
0x126: {  	[sflag:s0] =	ssyncadd.s32 @!p0 s1  }
0x127: {  	[bflag:$0x3] =	sbarrier.arrive $0xFFFF  }
0x128: {  	_ =	shalt  }

</sc_bundles>
